<compile_context>
chip_gen: v7x
topology: tpu7x:2x2x1
jax: 0.10.2.dev20260603
libtpu: 0.0.44.dev20260713+nightly
codegen_flags: <defaults>
</compile_context>

<pallas_src>
import functools

import jax
import jax.numpy as jnp
from jax import lax
from jax.experimental import pallas as pl
from jax.experimental.pallas import tpu as pltpu
from jax.experimental.pallas import tpu_sc as plsc

_N_ATOMS = 32768
_N_MOL = 16
_NODE_DIM = 128
_HIDDEN_DIM = 64
_N_ELEM = 119
_TILE = 8192
_GRID = _N_ATOMS // _TILE

_NC = 2
_NS = 16
_NW = _NC * _NS
_CHUNK = _N_ATOMS // _NW
_LANES = 16



def _mass_side_kernel(feat_hbm, atno_hbm, mt_hbm, out_hbm,
                      feat_v, atno_v, m_v, mt_v, acc_v, sem):
    cid = lax.axis_index("c")
    sid = lax.axis_index("s")
    wid = cid * _NS + sid
    base = wid * _CHUNK

    copies = [
        pltpu.async_copy(atno_hbm.at[pl.ds(base, _CHUNK)], atno_v, sem),
        pltpu.async_copy(feat_hbm.at[:, pl.ds(base, _CHUNK)], feat_v, sem),
        pltpu.async_copy(mt_hbm, mt_v.at[pl.ds(0, _N_ELEM)], sem),
    ]
    for c in copies:
        c.wait()

    tab = [mt_v[pl.ds(t * _LANES, _LANES)] for t in range(8)]

    def gather_body(j, _):
        sl = pl.ds(j * _LANES, _LANES)
        a = atno_v[sl]
        hi = lax.shift_right_logical(a, 4)
        lo = lax.bitwise_and(a, 15)
        m = jnp.zeros((_LANES,), jnp.float32)
        for t in range(8):
            m = jnp.where(hi == t,
                          tab[t].at[lo].get(mode="promise_in_bounds"), m)
        m_v[sl] = m
        return 0

    lax.fori_loop(0, _CHUNK // _LANES, gather_body, 0)

    for q in range(4):
        for mol in range(_N_MOL):
            acc_v[q, mol, :] = jnp.zeros((_LANES,), jnp.float32)

    bf0 = feat_v[4, pl.ds(0, _LANES)][0]
    bf1 = feat_v[4, pl.ds(_CHUNK - _LANES, _LANES)][_LANES - 1]
    bmin = bf0.astype(jnp.int32)
    bmax = bf1.astype(jnp.int32)

    def mol_body(mol, _):
        molf = mol.astype(jnp.float32)

        def vec_body(j, carry):
            ax, ay, az, am = carry
            sl = pl.ds(j * _LANES, _LANES)
            keep = feat_v[4, sl] == molf
            m = jnp.where(keep, m_v[sl], 0.0)
            ax = ax + m * feat_v[0, sl]
            ay = ay + m * feat_v[1, sl]
            az = az + m * feat_v[2, sl]
            am = am + m
            return ax, ay, az, am

        z = jnp.zeros((_LANES,), jnp.float32)
        ax, ay, az, am = lax.fori_loop(0, _CHUNK // _LANES, vec_body,
                                       (z, z, z, z))
        acc_v[0, mol, :] = ax
        acc_v[1, mol, :] = ay
        acc_v[2, mol, :] = az
        acc_v[3, mol, :] = am
        return 0

    lax.fori_loop(bmin, bmax + 1, mol_body, 0)

    pltpu.sync_copy(acc_v, out_hbm.at[wid])


def _mass_side(feat, atno1d, masses_table):
    mesh = plsc.VectorSubcoreMesh(core_axis_name="c", subcore_axis_name="s")
    k = functools.partial(
        pl.kernel,
        out_type=jax.ShapeDtypeStruct((_NW, 4, _N_MOL, _LANES),
                                      jnp.float32),
        mesh=mesh,
        scratch_types=[
            pltpu.VMEM((8, _CHUNK), jnp.float32),
            pltpu.VMEM((_CHUNK,), jnp.int32),
            pltpu.VMEM((_CHUNK,), jnp.float32),
            pltpu.VMEM((128,), jnp.float32),
            pltpu.VMEM((4, _N_MOL, _LANES), jnp.float32),
            pltpu.SemaphoreType.DMA,
        ],
    )(_mass_side_kernel)
    return k(feat, atno1d, masses_table)



def _s_side_kernel(x_ref, feat_ref, W1_ref, b1_ref, W2_ref, b2_ref,
                   out_ref):
    i = pl.program_id(0)

    @pl.when(i == 0)
    def _init():
        out_ref[...] = jnp.zeros_like(out_ref)

    x = x_ref[...]
    ft = feat_ref[...]

    px = ft[0:1, :]
    py = ft[1:2, :]
    pz = ft[2:3, :]
    r2 = ft[3:4, :]
    bf = ft[4:5, :]

    bi = bf.astype(jnp.int32)
    seg = jnp.where(
        lax.broadcasted_iota(jnp.int32, (_N_MOL, _TILE), 0) == bi,
        1.0, 0.0)

    h = jnp.dot(x, W1_ref[...], preferred_element_type=jnp.float32)
    h = h + b1_ref[...]
    h = h * jax.nn.sigmoid(h)
    s = jnp.dot(h, W2_ref[...], preferred_element_type=jnp.float32)
    s = s + b2_ref[...]

    SF = jnp.concatenate([seg * r2, seg * px, seg * py, seg * pz, seg],
                         axis=0)
    out_ref[...] += lax.dot_general(
        SF, s, (((1,), (0,)), ((), ())),
        preferred_element_type=jnp.float32)


def _s_side(x_scalar, feat, W1, b1r, W2, b2r):
    return pl.pallas_call(
        _s_side_kernel,
        grid=(_GRID,),
        in_specs=[
            pl.BlockSpec((_TILE, _NODE_DIM), lambda i: (i, 0)),
            pl.BlockSpec((8, _TILE), lambda i: (0, i)),
            pl.BlockSpec((_NODE_DIM, _HIDDEN_DIM), lambda i: (0, 0)),
            pl.BlockSpec((1, _HIDDEN_DIM), lambda i: (0, 0)),
            pl.BlockSpec((_HIDDEN_DIM, 1), lambda i: (0, 0)),
            pl.BlockSpec((1, 1), lambda i: (0, 0)),
        ],
        out_specs=pl.BlockSpec((80, 1), lambda i: (0, 0)),
        out_shape=jax.ShapeDtypeStruct((80, 1), jnp.float32),
        compiler_params=pltpu.CompilerParams(
            dimension_semantics=("arbitrary",)),
    )(x_scalar, feat, W1, b1r, W2, b2r)



def kernel(x_scalar, x_spherical, pos, batch, at_no, masses_table, W1, b1,
           W2, b2):
    del x_spherical
    posT = pos.T
    r2row = jnp.sum(pos * pos, axis=1)[None, :]
    bfrow = batch.astype(jnp.float32)[None, :]
    feat = jnp.concatenate(
        [posT, r2row, bfrow, jnp.zeros((3, _N_ATOMS), jnp.float32)],
        axis=0)
    atno1d = at_no.astype(jnp.int32)
    b1r = b1.reshape(1, _HIDDEN_DIM)
    b2r = b2.reshape(1, 1)

    sc_part = _mass_side(feat, atno1d, masses_table)
    accs = _s_side(x_scalar, feat, W1, b1r, W2, b2r)

    mass = jnp.sum(sc_part, axis=(0, 3))
    A = accs[0:16, 0]
    Bx = accs[16:32, 0]
    By = accs[32:48, 0]
    Bz = accs[48:64, 0]
    C = accs[64:80, 0]
    S = mass[3]
    den = jnp.where(S > 0.0, S, 1.0)
    cx = mass[0] / den
    cy = mass[1] / den
    cz = mass[2] / den
    res = (A - 2.0 * (Bx * cx + By * cy + Bz * cz)
           + C * (cx * cx + cy * cy + cz * cz))
    return res.reshape(_N_MOL, 1)

# --- scband reference (transcript-rebuilt; emitter-appended) ---
"""Pipeline reference for scband-spatial-out-54443005444462 (READ-ONLY COPY).

The authoritative reference and input builder live on the scoring server;
editing this copy changes nothing except your own understanding.
"""

import jax, jax.numpy as jnp
import numpy as np

N_ATOMS = 32768
N_MOL = 16
NODE_DIM = 128
HIDDEN_DIM = 64
N_ELEM = 119


def setup_inputs(seed: int = 0) -> dict:
    key = jax.random.key(seed)
    ks = jax.random.split(key, 10)
    x_scalar = jax.random.normal(ks[0], (N_ATOMS, NODE_DIM), dtype=jnp.float32)
    x_spherical = jax.random.normal(ks[1], (N_ATOMS, 3, NODE_DIM), dtype=jnp.float32)
    pos = jax.random.normal(ks[2], (N_ATOMS, 3), dtype=jnp.float32)
    batch = jnp.sort(jax.random.randint(ks[3], (N_ATOMS,), 0, N_MOL, dtype=jnp.int64))
    at_no = jax.random.randint(ks[4], (N_ATOMS,), 0, N_ELEM, dtype=jnp.int64)
    # learned / buffer parameters
    masses_table = jax.random.uniform(ks[5], (N_ELEM,), dtype=jnp.float32, minval=1.0, maxval=238.0)
    W1 = jax.random.normal(ks[6], (NODE_DIM, HIDDEN_DIM), dtype=jnp.float32) * (1.0 / np.sqrt(NODE_DIM))
    b1 = jnp.zeros((HIDDEN_DIM,), dtype=jnp.float32)
    W2 = jax.random.normal(ks[7], (HIDDEN_DIM, 1), dtype=jnp.float32) * (1.0 / np.sqrt(HIDDEN_DIM))
    b2 = jnp.zeros((1,), dtype=jnp.float32)
    return {"x_scalar": x_scalar, "x_spherical": x_spherical, "pos": pos, "batch": batch, "at_no": at_no, "masses_table": masses_table, "W1": W1, "b1": b1, "W2": W2, "b2": b2}


def reference(x_scalar, x_spherical, pos, batch, at_no, masses_table, W1, b1, W2, b2):
    # gather per-atom masses (embedding lookup)
    masses = masses_table[at_no][:, None]  # [N, 1]
    # center-of-mass centroids per molecule via segment_sum (scatter-add)
    m_coord = jax.ops.segment_sum(masses * pos, batch, num_segments=N_MOL)  # [B, 3]
    m_sum = jax.ops.segment_sum(masses, batch, num_segments=N_MOL)  # [B, 1]
    centroids = m_coord / m_sum  # [B, 3]
    coord = pos - centroids[batch]  # gather centroids back per atom
    # scalar_out_mlp: Linear -> SiLU -> Linear
    h = jax.nn.silu(x_scalar @ W1 + b1)
    scalar_out = h @ W2 + b2  # [N, 1]
    spatial = jnp.sum(jnp.square(coord), axis=1, keepdims=True)  # [N, 1]
    res = scalar_out * spatial  # [N, 1]
    # reduce_op='sum' -> segment sum over molecules
    res = jax.ops.segment_sum(res, batch, num_segments=N_MOL)  # [B, 1]
    return res

if __name__ == "__main__":
    import jax
    _d = setup_inputs()
    print(jax.jit(kernel)(*tuple(_d.values())))

</pallas_src>

<mosaic_0001>
#map = affine_map<(d0, d1) -> (0, 0)>
#map1 = affine_map<(d0, d1) -> (0)>
#map2 = affine_map<(d0, d1) -> (0, 0, 0, 0)>
module attributes {stable_mosaic.version = 14 : i64} {
  func.func @_mass_side_kernel(%arg0: i32, %arg1: i32, %arg2: memref<8x32768xf32, #tpu.memory_space<hbm>>, %arg3: memref<32768xi32, #tpu.memory_space<hbm>>, %arg4: memref<119xf32, #tpu.memory_space<hbm>>, %arg5: memref<32x4x16x16xf32, #tpu.memory_space<hbm>>, %arg6: memref<8x1024xf32, #tpu.memory_space<vmem>>, %arg7: memref<1024xi32, #tpu.memory_space<vmem>>, %arg8: memref<1024xf32, #tpu.memory_space<vmem>>, %arg9: memref<128xf32, #tpu.memory_space<vmem>>, %arg10: memref<4x16x16xf32, #tpu.memory_space<vmem>>, %arg11: memref<!tpu.dma_semaphore, #tpu.memory_space<semaphore_mem>>) attributes {dimension_semantics = [#tpu.dimension_semantics<core_parallel>, #tpu.dimension_semantics<subcore_parallel>], iteration_bounds = array<i64: 2, 16>, scalar_prefetch = 0 : i64, scratch_operands = 6 : i64, tpu.core_type = #tpu.core_type<sc_vector_subcore>, window_params = [{transform_indices = #map}, {transform_indices = #map1}, {transform_indices = #map1}, {transform_indices = #map2}]} {
    %mul3A = arith.constant 16 : i32
    %mul3A_0 = arith.muli %arg0, %mul3A : i32
    %add3A = arith.addi %mul3A_0, %arg1 : i32
    %mul3A_1 = arith.constant 1024 : i32
    %mul3A_2 = arith.muli %add3A, %mul3A_1 : i32
    %dma_start3A = tpu.memref_slice %arg3[%mul3A_2] : memref<32768xi32, #tpu.memory_space<hbm>> -> memref<1024xi32, #tpu.memory_space<hbm>>
    %dma_start3A_3 = tpu.memref_slice %arg3[%mul3A_2] : memref<32768xi32, #tpu.memory_space<hbm>> -> memref<1024xi32, #tpu.memory_space<hbm>>
    tpu.enqueue_dma source(%dma_start3A_3 : memref<1024xi32, #tpu.memory_space<hbm>>) target(%arg7 : memref<1024xi32, #tpu.memory_space<vmem>>) target_semaphore(%arg11 : memref<!tpu.dma_semaphore, #tpu.memory_space<semaphore_mem>>)
    %dma_start3A_4 = arith.constant 0 : i32
    %dma_start3A_5 = tpu.memref_slice %arg2[%dma_start3A_4, %mul3A_2] : memref<8x32768xf32, #tpu.memory_space<hbm>> -> memref<8x1024xf32, #tpu.memory_space<hbm>>
    %dma_start3A_6 = arith.constant 0 : i32
    %dma_start3A_7 = tpu.memref_slice %arg2[%dma_start3A_6, %mul3A_2] : memref<8x32768xf32, #tpu.memory_space<hbm>> -> memref<8x1024xf32, #tpu.memory_space<hbm>>
    tpu.enqueue_dma source(%dma_start3A_7 : memref<8x1024xf32, #tpu.memory_space<hbm>>) target(%arg6 : memref<8x1024xf32, #tpu.memory_space<vmem>>) target_semaphore(%arg11 : memref<!tpu.dma_semaphore, #tpu.memory_space<semaphore_mem>>)
    %dma_start3A_8 = arith.constant 0 : i32
    %dma_start3A_9 = tpu.memref_slice %arg9[%dma_start3A_8] : memref<128xf32, #tpu.memory_space<vmem>> -> memref<119xf32, #tpu.memory_space<vmem>>
    %dma_start3A_10 = arith.constant 0 : i32
    %dma_start3A_11 = tpu.memref_slice %arg9[%dma_start3A_10] : memref<128xf32, #tpu.memory_space<vmem>> -> memref<119xf32, #tpu.memory_space<vmem>>
    tpu.enqueue_dma source(%arg4 : memref<119xf32, #tpu.memory_space<hbm>>) target(%dma_start3A_11 : memref<119xf32, #tpu.memory_space<vmem>>) target_semaphore(%arg11 : memref<!tpu.dma_semaphore, #tpu.memory_space<semaphore_mem>>)
    %dma_wait3A = tpu.memref_slice %arg3[%mul3A_2] : memref<32768xi32, #tpu.memory_space<hbm>> -> memref<1024xi32, #tpu.memory_space<hbm>>
    %dma_wait3A_12 = tpu.memref_slice %arg3[%mul3A_2] : memref<32768xi32, #tpu.memory_space<hbm>> -> memref<1024xi32, #tpu.memory_space<hbm>>
    tpu.wait_dma2 semaphore(%arg11 : memref<!tpu.dma_semaphore, #tpu.memory_space<semaphore_mem>>) src(%dma_wait3A_12 : memref<1024xi32, #tpu.memory_space<hbm>>) dst(%arg7 : memref<1024xi32, #tpu.memory_space<vmem>>)
    %dma_wait3A_13 = arith.constant 0 : i32
    %dma_wait3A_14 = tpu.memref_slice %arg2[%dma_wait3A_13, %mul3A_2] : memref<8x32768xf32, #tpu.memory_space<hbm>> -> memref<8x1024xf32, #tpu.memory_space<hbm>>
    %dma_wait3A_15 = arith.constant 0 : i32
    %dma_wait3A_16 = tpu.memref_slice %arg2[%dma_wait3A_15, %mul3A_2] : memref<8x32768xf32, #tpu.memory_space<hbm>> -> memref<8x1024xf32, #tpu.memory_space<hbm>>
    tpu.wait_dma2 semaphore(%arg11 : memref<!tpu.dma_semaphore, #tpu.memory_space<semaphore_mem>>) src(%dma_wait3A_16 : memref<8x1024xf32, #tpu.memory_space<hbm>>) dst(%arg6 : memref<8x1024xf32, #tpu.memory_space<vmem>>)
    %dma_wait3A_17 = arith.constant 0 : i32
    %dma_wait3A_18 = tpu.memref_slice %arg9[%dma_wait3A_17] : memref<128xf32, #tpu.memory_space<vmem>> -> memref<119xf32, #tpu.memory_space<vmem>>
    %dma_wait3A_19 = arith.constant 0 : i32
    %dma_wait3A_20 = tpu.memref_slice %arg9[%dma_wait3A_19] : memref<128xf32, #tpu.memory_space<vmem>> -> memref<119xf32, #tpu.memory_space<vmem>>
    tpu.wait_dma2 semaphore(%arg11 : memref<!tpu.dma_semaphore, #tpu.memory_space<semaphore_mem>>) src(%arg4 : memref<119xf32, #tpu.memory_space<hbm>>) dst(%dma_wait3A_20 : memref<119xf32, #tpu.memory_space<vmem>>)
    %get3A = arith.constant 0 : index
    %get3A_21 = tpu.vector_load %arg9[%get3A] {strides = array<i32>} : memref<128xf32, #tpu.memory_space<vmem>>, vector<16xf32>,
    %get3A_22 = vector.shape_cast %get3A_21 : vector<16xf32> to vector<16xf32>
    %get3A_23 = arith.constant 16 : index
    %get3A_24 = tpu.vector_load %arg9[%get3A_23] {strides = array<i32>} : memref<128xf32, #tpu.memory_space<vmem>>, vector<16xf32>,
    %get3A_25 = vector.shape_cast %get3A_24 : vector<16xf32> to vector<16xf32>
    %get3A_26 = arith.constant 32 : index
    %get3A_27 = tpu.vector_load %arg9[%get3A_26] {strides = array<i32>} : memref<128xf32, #tpu.memory_space<vmem>>, vector<16xf32>,
    %get3A_28 = vector.shape_cast %get3A_27 : vector<16xf32> to vector<16xf32>
    %get3A_29 = arith.constant 48 : index
    %get3A_30 = tpu.vector_load %arg9[%get3A_29] {strides = array<i32>} : memref<128xf32, #tpu.memory_space<vmem>>, vector<16xf32>,
    %get3A_31 = vector.shape_cast %get3A_30 : vector<16xf32> to vector<16xf32>
    %get3A_32 = arith.constant 64 : index
    %get3A_33 = tpu.vector_load %arg9[%get3A_32] {strides = array<i32>} : memref<128xf32, #tpu.memory_space<vmem>>, vector<16xf32>,
    %get3A_34 = vector.shape_cast %get3A_33 : vector<16xf32> to vector<16xf32>
    %get3A_35 = arith.constant 80 : index
    %get3A_36 = tpu.vector_load %arg9[%get3A_35] {strides = array<i32>} : memref<128xf32, #tpu.memory_space<vmem>>, vector<16xf32>,
    %get3A_37 = vector.shape_cast %get3A_36 : vector<16xf32> to vector<16xf32>
    %get3A_38 = arith.constant 96 : index
    %get3A_39 = tpu.vector_load %arg9[%get3A_38] {strides = array<i32>} : memref<128xf32, #tpu.memory_space<vmem>>, vector<16xf32>,
    %get3A_40 = vector.shape_cast %get3A_39 : vector<16xf32> to vector<16xf32>
    %get3A_41 = arith.constant 112 : index
    %get3A_42 = tpu.vector_load %arg9[%get3A_41] {strides = array<i32>} : memref<128xf32, #tpu.memory_space<vmem>>, vector<16xf32>,
    %get3A_43 = vector.shape_cast %get3A_42 : vector<16xf32> to vector<16xf32>
    %scan3A = arith.constant 0 : i32
    %scan3A_44 = arith.constant 0 : i32
    %scan3A_45 = arith.constant 64 : i32
    %scan3A_46 = arith.addi %scan3A_44, %scan3A_45 : i32
    %scan3A_47 = arith.constant 1 : i32
    %scan3A_48 = scf.for %scan3A_713 = %scan3A_44 to %scan3A_46 step %scan3A_47 iter_args(%scan3A_714 = %scan3A) -> (i32)  : i32 {
      %mul3A_715 = arith.constant 16 : i32
      %mul3A_716 = arith.muli %scan3A_713, %mul3A_715 : i32
      %get3A_717 = arith.index_cast %mul3A_716 : i32 to index
      %get3A_718 = tpu.vector_load %arg7[%get3A_717] {strides = array<i32>} : memref<1024xi32, #tpu.memory_space<vmem>>, vector<16xi32>,
      %get3A_719 = vector.shape_cast %get3A_718 : vector<16xi32> to vector<16xi32>
      %shift_right_logical3A = arith.constant 4 : i32
      %shift_right_logical3A_720 = vector.broadcast %shift_right_logical3A : i32 to vector<16xi32>
      %shift_right_logical3A_721 = arith.shrui %get3A_719, %shift_right_logical3A_720 : vector<16xi32>
      %and3A = arith.constant 15 : i32
      %and3A_722 = vector.broadcast %and3A : i32 to vector<16xi32>
      %and3A_723 = arith.andi %get3A_719, %and3A_722 : vector<16xi32>
      %broadcast_in_dim3A_724 = arith.constant 0.000000e+00 : f32
      %broadcast_in_dim3A_725 = vector.broadcast %broadcast_in_dim3A_724 : f32 to vector<16xf32>
      %eq3A = arith.constant 0 : i32
      %eq3A_726 = vector.broadcast %eq3A : i32 to vector<16xi32>
      %eq3A_727 = arith.cmpi eq, %shift_right_logical3A_721, %eq3A_726 : vector<16xi32>
      %lt3A = arith.constant 0 : i32
      %lt3A_728 = vector.broadcast %lt3A : i32 to vector<16xi32>
      %lt3A_729 = arith.cmpi slt, %and3A_723, %lt3A_728 : vector<16xi32>
      %add3A_730 = arith.constant 16 : i32
      %add3A_731 = vector.broadcast %add3A_730 : i32 to vector<16xi32>
      %add3A_732 = arith.addi %and3A_723, %add3A_731 : vector<16xi32>
      %select_n3A = arith.select %lt3A_729, %add3A_732, %and3A_723 : vector<16xi1>, vector<16xi32>
      %broadcast_in_dim3A_733 = vector.shape_cast %select_n3A : vector<16xi32> to vector<16x1xi32>
      %gather3A = vector.shape_cast %broadcast_in_dim3A_733 : vector<16x1xi32> to vector<16xi32>
      %gather3A_734 = tpu.dynamic_gather %get3A_22[%gather3A] in [0] : vector<16xf32>, vector<16xi32> -> vector<16xf32>
      %select_n3A_735 = arith.select %eq3A_727, %gather3A_734, %broadcast_in_dim3A_725 : vector<16xi1>, vector<16xf32>
      %eq3A_736 = arith.constant 1 : i32
      %eq3A_737 = vector.broadcast %eq3A_736 : i32 to vector<16xi32>
      %eq3A_738 = arith.cmpi eq, %shift_right_logical3A_721, %eq3A_737 : vector<16xi32>
      %lt3A_739 = arith.constant 0 : i32
      %lt3A_740 = vector.broadcast %lt3A_739 : i32 to vector<16xi32>
      %lt3A_741 = arith.cmpi slt, %and3A_723, %lt3A_740 : vector<16xi32>
      %add3A_742 = arith.constant 16 : i32
      %add3A_743 = vector.broadcast %add3A_742 : i32 to vector<16xi32>
      %add3A_744 = arith.addi %and3A_723, %add3A_743 : vector<16xi32>
      %select_n3A_745 = arith.select %lt3A_741, %add3A_744, %and3A_723 : vector<16xi1>, vector<16xi32>
      %broadcast_in_dim3A_746 = vector.shape_cast %select_n3A_745 : vector<16xi32> to vector<16x1xi32>
      %gather3A_747 = vector.shape_cast %broadcast_in_dim3A_746 : vector<16x1xi32> to vector<16xi32>
      %gather3A_748 = tpu.dynamic_gather %get3A_25[%gather3A_747] in [0] : vector<16xf32>, vector<16xi32> -> vector<16xf32>
      %select_n3A_749 = arith.select %eq3A_738, %gather3A_748, %select_n3A_735 : vector<16xi1>, vector<16xf32>
      %eq3A_750 = arith.constant 2 : i32
      %eq3A_751 = vector.broadcast %eq3A_750 : i32 to vector<16xi32>
      %eq3A_752 = arith.cmpi eq, %shift_right_logical3A_721, %eq3A_751 : vector<16xi32>
      %lt3A_753 = arith.constant 0 : i32
      %lt3A_754 = vector.broadcast %lt3A_753 : i32 to vector<16xi32>
      %lt3A_755 = arith.cmpi slt, %and3A_723, %lt3A_754 : vector<16xi32>
      %add3A_756 = arith.constant 16 : i32
      %add3A_757 = vector.broadcast %add3A_756 : i32 to vector<16xi32>
      %add3A_758 = arith.addi %and3A_723, %add3A_757 : vector<16xi32>
      %select_n3A_759 = arith.select %lt3A_755, %add3A_758, %and3A_723 : vector<16xi1>, vector<16xi32>
      %broadcast_in_dim3A_760 = vector.shape_cast %select_n3A_759 : vector<16xi32> to vector<16x1xi32>
      %gather3A_761 = vector.shape_cast %broadcast_in_dim3A_760 : vector<16x1xi32> to vector<16xi32>
      %gather3A_762 = tpu.dynamic_gather %get3A_28[%gather3A_761] in [0] : vector<16xf32>, vector<16xi32> -> vector<16xf32>
      %select_n3A_763 = arith.select %eq3A_752, %gather3A_762, %select_n3A_749 : vector<16xi1>, vector<16xf32>
      %eq3A_764 = arith.constant 3 : i32
      %eq3A_765 = vector.broadcast %eq3A_764 : i32 to vector<16xi32>
      %eq3A_766 = arith.cmpi eq, %shift_right_logical3A_721, %eq3A_765 : vector<16xi32>
      %lt3A_767 = arith.constant 0 : i32
      %lt3A_768 = vector.broadcast %lt3A_767 : i32 to vector<16xi32>
      %lt3A_769 = arith.cmpi slt, %and3A_723, %lt3A_768 : vector<16xi32>
      %add3A_770 = arith.constant 16 : i32
      %add3A_771 = vector.broadcast %add3A_770 : i32 to vector<16xi32>
      %add3A_772 = arith.addi %and3A_723, %add3A_771 : vector<16xi32>
      %select_n3A_773 = arith.select %lt3A_769, %add3A_772, %and3A_723 : vector<16xi1>, vector<16xi32>
      %broadcast_in_dim3A_774 = vector.shape_cast %select_n3A_773 : vector<16xi32> to vector<16x1xi32>
      %gather3A_775 = vector.shape_cast %broadcast_in_dim3A_774 : vector<16x1xi32> to vector<16xi32>
      %gather3A_776 = tpu.dynamic_gather %get3A_31[%gather3A_775] in [0] : vector<16xf32>, vector<16xi32> -> vector<16xf32>
      %select_n3A_777 = arith.select %eq3A_766, %gather3A_776, %select_n3A_763 : vector<16xi1>, vector<16xf32>
      %eq3A_778 = arith.constant 4 : i32
      %eq3A_779 = vector.broadcast %eq3A_778 : i32 to vector<16xi32>
      %eq3A_780 = arith.cmpi eq, %shift_right_logical3A_721, %eq3A_779 : vector<16xi32>
      %lt3A_781 = arith.constant 0 : i32
      %lt3A_782 = vector.broadcast %lt3A_781 : i32 to vector<16xi32>
      %lt3A_783 = arith.cmpi slt, %and3A_723, %lt3A_782 : vector<16xi32>
      %add3A_784 = arith.constant 16 : i32
      %add3A_785 = vector.broadcast %add3A_784 : i32 to vector<16xi32>
      %add3A_786 = arith.addi %and3A_723, %add3A_785 : vector<16xi32>
      %select_n3A_787 = arith.select %lt3A_783, %add3A_786, %and3A_723 : vector<16xi1>, vector<16xi32>
      %broadcast_in_dim3A_788 = vector.shape_cast %select_n3A_787 : vector<16xi32> to vector<16x1xi32>
      %gather3A_789 = vector.shape_cast %broadcast_in_dim3A_788 : vector<16x1xi32> to vector<16xi32>
      %gather3A_790 = tpu.dynamic_gather %get3A_34[%gather3A_789] in [0] : vector<16xf32>, vector<16xi32> -> vector<16xf32>
      %select_n3A_791 = arith.select %eq3A_780, %gather3A_790, %select_n3A_777 : vector<16xi1>, vector<16xf32>
      %eq3A_792 = arith.constant 5 : i32
      %eq3A_793 = vector.broadcast %eq3A_792 : i32 to vector<16xi32>
      %eq3A_794 = arith.cmpi eq, %shift_right_logical3A_721, %eq3A_793 : vector<16xi32>
      %lt3A_795 = arith.constant 0 : i32
      %lt3A_796 = vector.broadcast %lt3A_795 : i32 to vector<16xi32>
      %lt3A_797 = arith.cmpi slt, %and3A_723, %lt3A_796 : vector<16xi32>
      %add3A_798 = arith.constant 16 : i32
      %add3A_799 = vector.broadcast %add3A_798 : i32 to vector<16xi32>
      %add3A_800 = arith.addi %and3A_723, %add3A_799 : vector<16xi32>
      %select_n3A_801 = arith.select %lt3A_797, %add3A_800, %and3A_723 : vector<16xi1>, vector<16xi32>
      %broadcast_in_dim3A_802 = vector.shape_cast %select_n3A_801 : vector<16xi32> to vector<16x1xi32>
      %gather3A_803 = vector.shape_cast %broadcast_in_dim3A_802 : vector<16x1xi32> to vector<16xi32>
      %gather3A_804 = tpu.dynamic_gather %get3A_37[%gather3A_803] in [0] : vector<16xf32>, vector<16xi32> -> vector<16xf32>
      %select_n3A_805 = arith.select %eq3A_794, %gather3A_804, %select_n3A_791 : vector<16xi1>, vector<16xf32>
      %eq3A_806 = arith.constant 6 : i32
      %eq3A_807 = vector.broadcast %eq3A_806 : i32 to vector<16xi32>
      %eq3A_808 = arith.cmpi eq, %shift_right_logical3A_721, %eq3A_807 : vector<16xi32>
      %lt3A_809 = arith.constant 0 : i32
      %lt3A_810 = vector.broadcast %lt3A_809 : i32 to vector<16xi32>
      %lt3A_811 = arith.cmpi slt, %and3A_723, %lt3A_810 : vector<16xi32>
      %add3A_812 = arith.constant 16 : i32
      %add3A_813 = vector.broadcast %add3A_812 : i32 to vector<16xi32>
      %add3A_814 = arith.addi %and3A_723, %add3A_813 : vector<16xi32>
      %select_n3A_815 = arith.select %lt3A_811, %add3A_814, %and3A_723 : vector<16xi1>, vector<16xi32>
      %broadcast_in_dim3A_816 = vector.shape_cast %select_n3A_815 : vector<16xi32> to vector<16x1xi32>
      %gather3A_817 = vector.shape_cast %broadcast_in_dim3A_816 : vector<16x1xi32> to vector<16xi32>
      %gather3A_818 = tpu.dynamic_gather %get3A_40[%gather3A_817] in [0] : vector<16xf32>, vector<16xi32> -> vector<16xf32>
      %select_n3A_819 = arith.select %eq3A_808, %gather3A_818, %select_n3A_805 : vector<16xi1>, vector<16xf32>
      %eq3A_820 = arith.constant 7 : i32
      %eq3A_821 = vector.broadcast %eq3A_820 : i32 to vector<16xi32>
      %eq3A_822 = arith.cmpi eq, %shift_right_logical3A_721, %eq3A_821 : vector<16xi32>
      %lt3A_823 = arith.constant 0 : i32
      %lt3A_824 = vector.broadcast %lt3A_823 : i32 to vector<16xi32>
      %lt3A_825 = arith.cmpi slt, %and3A_723, %lt3A_824 : vector<16xi32>
      %add3A_826 = arith.constant 16 : i32
      %add3A_827 = vector.broadcast %add3A_826 : i32 to vector<16xi32>
      %add3A_828 = arith.addi %and3A_723, %add3A_827 : vector<16xi32>
      %select_n3A_829 = arith.select %lt3A_825, %add3A_828, %and3A_723 : vector<16xi1>, vector<16xi32>
      %broadcast_in_dim3A_830 = vector.shape_cast %select_n3A_829 : vector<16xi32> to vector<16x1xi32>
      %gather3A_831 = vector.shape_cast %broadcast_in_dim3A_830 : vector<16x1xi32> to vector<16xi32>
      %gather3A_832 = tpu.dynamic_gather %get3A_43[%gather3A_831] in [0] : vector<16xf32>, vector<16xi32> -> vector<16xf32>
      %select_n3A_833 = arith.select %eq3A_822, %gather3A_832, %select_n3A_819 : vector<16xi1>, vector<16xf32>
      %swap3A_834 = arith.index_cast %mul3A_716 : i32 to index
      %swap3A_835 = tpu.vector_load %arg8[%swap3A_834] {strides = array<i32>} : memref<1024xf32, #tpu.memory_space<vmem>>, vector<16xf32>,
      %swap3A_836 = vector.shape_cast %swap3A_835 : vector<16xf32> to vector<16xf32>
      %swap3A_837 = vector.shape_cast %select_n3A_833 : vector<16xf32> to vector<16xf32>
      tpu.vector_store %arg8[%swap3A_834], %swap3A_837 {strides = array<i32>} : memref<1024xf32, #tpu.memory_space<vmem>>, vector<16xf32>,
      %scan3A_838 = arith.constant 0 : i32
      scf.yield %scan3A_838 : i32
    }
    %scan3A_49 = arith.constant 64 : i32
    %broadcast_in_dim3A = arith.constant 0.000000e+00 : f32
    %broadcast_in_dim3A_50 = vector.broadcast %broadcast_in_dim3A : f32 to vector<16xf32>
    %swap3A = arith.constant 0 : i32
    %swap3A_51 = arith.constant 0 : i32
    %swap3A_52 = arith.index_cast %swap3A : i32 to index
    %swap3A_53 = arith.index_cast %swap3A_51 : i32 to index
    %swap3A_54 = arith.constant 0 : index
    %swap3A_55 = tpu.vector_load %arg10[%swap3A_52, %swap3A_53, %swap3A_54] {strides = array<i32>} : memref<4x16x16xf32, #tpu.memory_space<vmem>>, vector<1x1x16xf32>,
    %swap3A_56 = vector.shape_cast %swap3A_55 : vector<1x1x16xf32> to vector<16xf32>
    %swap3A_57 = vector.shape_cast %broadcast_in_dim3A_50 : vector<16xf32> to vector<1x1x16xf32>
    tpu.vector_store %arg10[%swap3A_52, %swap3A_53, %swap3A_54], %swap3A_57 {strides = array<i32>} : memref<4x16x16xf32, #tpu.memory_space<vmem>>, vector<1x1x16xf32>,
    %broadcast_in_dim3A_58 = arith.constant 0.000000e+00 : f32
    %broadcast_in_dim3A_59 = vector.broadcast %broadcast_in_dim3A_58 : f32 to vector<16xf32>
    %swap3A_60 = arith.constant 0 : i32
    %swap3A_61 = arith.constant 1 : i32
    %swap3A_62 = arith.index_cast %swap3A_60 : i32 to index
    %swap3A_63 = arith.index_cast %swap3A_61 : i32 to index
    %swap3A_64 = arith.constant 0 : index
    %swap3A_65 = tpu.vector_load %arg10[%swap3A_62, %swap3A_63, %swap3A_64] {strides = array<i32>} : memref<4x16x16xf32, #tpu.memory_space<vmem>>, vector<1x1x16xf32>,
    %swap3A_66 = vector.shape_cast %swap3A_65 : vector<1x1x16xf32> to vector<16xf32>
    %swap3A_67 = vector.shape_cast %broadcast_in_dim3A_59 : vector<16xf32> to vector<1x1x16xf32>
    tpu.vector_store %arg10[%swap3A_62, %swap3A_63, %swap3A_64], %swap3A_67 {strides = array<i32>} : memref<4x16x16xf32, #tpu.memory_space<vmem>>, vector<1x1x16xf32>,
    %broadcast_in_dim3A_68 = arith.constant 0.000000e+00 : f32
    %broadcast_in_dim3A_69 = vector.broadcast %broadcast_in_dim3A_68 : f32 to vector<16xf32>
    %swap3A_70 = arith.constant 0 : i32
    %swap3A_71 = arith.constant 2 : i32
    %swap3A_72 = arith.index_cast %swap3A_70 : i32 to index
    %swap3A_73 = arith.index_cast %swap3A_71 : i32 to index
    %swap3A_74 = arith.constant 0 : index
    %swap3A_75 = tpu.vector_load %arg10[%swap3A_72, %swap3A_73, %swap3A_74] {strides = array<i32>} : memref<4x16x16xf32, #tpu.memory_space<vmem>>, vector<1x1x16xf32>,
    %swap3A_76 = vector.shape_cast %swap3A_75 : vector<1x1x16xf32> to vector<16xf32>
    %swap3A_77 = vector.shape_cast %broadcast_in_dim3A_69 : vector<16xf32> to vector<1x1x16xf32>
    tpu.vector_store %arg10[%swap3A_72, %swap3A_73, %swap3A_74], %swap3A_77 {strides = array<i32>} : memref<4x16x16xf32, #tpu.memory_space<vmem>>, vector<1x1x16xf32>,
    %broadcast_in_dim3A_78 = arith.constant 0.000000e+00 : f32
    %broadcast_in_dim3A_79 = vector.broadcast %broadcast_in_dim3A_78 : f32 to vector<16xf32>
    %swap3A_80 = arith.constant 0 : i32
    %swap3A_81 = arith.constant 3 : i32
    %swap3A_82 = arith.index_cast %swap3A_80 : i32 to index
    %swap3A_83 = arith.index_cast %swap3A_81 : i32 to index
    %swap3A_84 = arith.constant 0 : index
    %swap3A_85 = tpu.vector_load %arg10[%swap3A_82, %swap3A_83, %swap3A_84] {strides = array<i32>} : memref<4x16x16xf32, #tpu.memory_space<vmem>>, vector<1x1x16xf32>,
    %swap3A_86 = vector.shape_cast %swap3A_85 : vector<1x1x16xf32> to vector<16xf32>
    %swap3A_87 = vector.shape_cast %broadcast_in_dim3A_79 : vector<16xf32> to vector<1x1x16xf32>
    tpu.vector_store %arg10[%swap3A_82, %swap3A_83, %swap3A_84], %swap3A_87 {strides = array<i32>} : memref<4x16x16xf32, #tpu.memory_space<vmem>>, vector<1x1x16xf32>,
    %broadcast_in_dim3A_88 = arith.constant 0.000000e+00 : f32
    %broadcast_in_dim3A_89 = vector.broadcast %broadcast_in_dim3A_88 : f32 to vector<16xf32>
    %swap3A_90 = arith.constant 0 : i32
    %swap3A_91 = arith.constant 4 : i32
    %swap3A_92 = arith.index_cast %swap3A_90 : i32 to index
    %swap3A_93 = arith.index_cast %swap3A_91 : i32 to index
    %swap3A_94 = arith.constant 0 : index
    %swap3A_95 = tpu.vector_load %arg10[%swap3A_92, %swap3A_93, %swap3A_94] {strides = array<i32>} : memref<4x16x16xf32, #tpu.memory_space<vmem>>, vector<1x1x16xf32>,
    %swap3A_96 = vector.shape_cast %swap3A_95 : vector<1x1x16xf32> to vector<16xf32>
    %swap3A_97 = vector.shape_cast %broadcast_in_dim3A_89 : vector<16xf32> to vector<1x1x16xf32>
    tpu.vector_store %arg10[%swap3A_92, %swap3A_93, %swap3A_94], %swap3A_97 {strides = array<i32>} : memref<4x16x16xf32, #tpu.memory_space<vmem>>, vector<1x1x16xf32>,
    %broadcast_in_dim3A_98 = arith.constant 0.000000e+00 : f32
    %broadcast_in_dim3A_99 = vector.broadcast %broadcast_in_dim3A_98 : f32 to vector<16xf32>
    %swap3A_100 = arith.constant 0 : i32
    %swap3A_101 = arith.constant 5 : i32
    %swap3A_102 = arith.index_cast %swap3A_100 : i32 to index
    %swap3A_103 = arith.index_cast %swap3A_101 : i32 to index
    %swap3A_104 = arith.constant 0 : index
    %swap3A_105 = tpu.vector_load %arg10[%swap3A_102, %swap3A_103, %swap3A_104] {strides = array<i32>} : memref<4x16x16xf32, #tpu.memory_space<vmem>>, vector<1x1x16xf32>,
    %swap3A_106 = vector.shape_cast %swap3A_105 : vector<1x1x16xf32> to vector<16xf32>
    %swap3A_107 = vector.shape_cast %broadcast_in_dim3A_99 : vector<16xf32> to vector<1x1x16xf32>
    tpu.vector_store %arg10[%swap3A_102, %swap3A_103, %swap3A_104], %swap3A_107 {strides = array<i32>} : memref<4x16x16xf32, #tpu.memory_space<vmem>>, vector<1x1x16xf32>,
    %broadcast_in_dim3A_108 = arith.constant 0.000000e+00 : f32
    %broadcast_in_dim3A_109 = vector.broadcast %broadcast_in_dim3A_108 : f32 to vector<16xf32>
    %swap3A_110 = arith.constant 0 : i32
    %swap3A_111 = arith.constant 6 : i32
    %swap3A_112 = arith.index_cast %swap3A_110 : i32 to index
    %swap3A_113 = arith.index_cast %swap3A_111 : i32 to index
    %swap3A_114 = arith.constant 0 : index
    %swap3A_115 = tpu.vector_load %arg10[%swap3A_112, %swap3A_113, %swap3A_114] {strides = array<i32>} : memref<4x16x16xf32, #tpu.memory_space<vmem>>, vector<1x1x16xf32>,
    %swap3A_116 = vector.shape_cast %swap3A_115 : vector<1x1x16xf32> to vector<16xf32>
    %swap3A_117 = vector.shape_cast %broadcast_in_dim3A_109 : vector<16xf32> to vector<1x1x16xf32>
    tpu.vector_store %arg10[%swap3A_112, %swap3A_113, %swap3A_114], %swap3A_117 {strides = array<i32>} : memref<4x16x16xf32, #tpu.memory_space<vmem>>, vector<1x1x16xf32>,
    %broadcast_in_dim3A_118 = arith.constant 0.000000e+00 : f32
    %broadcast_in_dim3A_119 = vector.broadcast %broadcast_in_dim3A_118 : f32 to vector<16xf32>
    %swap3A_120 = arith.constant 0 : i32
    %swap3A_121 = arith.constant 7 : i32
    %swap3A_122 = arith.index_cast %swap3A_120 : i32 to index
    %swap3A_123 = arith.index_cast %swap3A_121 : i32 to index
    %swap3A_124 = arith.constant 0 : index
    %swap3A_125 = tpu.vector_load %arg10[%swap3A_122, %swap3A_123, %swap3A_124] {strides = array<i32>} : memref<4x16x16xf32, #tpu.memory_space<vmem>>, vector<1x1x16xf32>,
    %swap3A_126 = vector.shape_cast %swap3A_125 : vector<1x1x16xf32> to vector<16xf32>
    %swap3A_127 = vector.shape_cast %broadcast_in_dim3A_119 : vector<16xf32> to vector<1x1x16xf32>
    tpu.vector_store %arg10[%swap3A_122, %swap3A_123, %swap3A_124], %swap3A_127 {strides = array<i32>} : memref<4x16x16xf32, #tpu.memory_space<vmem>>, vector<1x1x16xf32>,
    %broadcast_in_dim3A_128 = arith.constant 0.000000e+00 : f32
    %broadcast_in_dim3A_129 = vector.broadcast %broadcast_in_dim3A_128 : f32 to vector<16xf32>
    %swap3A_130 = arith.constant 0 : i32
    %swap3A_131 = arith.constant 8 : i32
    %swap3A_132 = arith.index_cast %swap3A_130 : i32 to index
    %swap3A_133 = arith.index_cast %swap3A_131 : i32 to index
    %swap3A_134 = arith.constant 0 : index
    %swap3A_135 = tpu.vector_load %arg10[%swap3A_132, %swap3A_133, %swap3A_134] {strides = array<i32>} : memref<4x16x16xf32, #tpu.memory_space<vmem>>, vector<1x1x16xf32>,
    %swap3A_136 = vector.shape_cast %swap3A_135 : vector<1x1x16xf32> to vector<16xf32>
    %swap3A_137 = vector.shape_cast %broadcast_in_dim3A_129 : vector<16xf32> to vector<1x1x16xf32>
    tpu.vector_store %arg10[%swap3A_132, %swap3A_133, %swap3A_134], %swap3A_137 {strides = array<i32>} : memref<4x16x16xf32, #tpu.memory_space<vmem>>, vector<1x1x16xf32>,
    %broadcast_in_dim3A_138 = arith.constant 0.000000e+00 : f32
    %broadcast_in_dim3A_139 = vector.broadcast %broadcast_in_dim3A_138 : f32 to vector<16xf32>
    %swap3A_140 = arith.constant 0 : i32
    %swap3A_141 = arith.constant 9 : i32
    %swap3A_142 = arith.index_cast %swap3A_140 : i32 to index
    %swap3A_143 = arith.index_cast %swap3A_141 : i32 to index
    %swap3A_144 = arith.constant 0 : index
    %swap3A_145 = tpu.vector_load %arg10[%swap3A_142, %swap3A_143, %swap3A_144] {strides = array<i32>} : memref<4x16x16xf32, #tpu.memory_space<vmem>>, vector<1x1x16xf32>,
    %swap3A_146 = vector.shape_cast %swap3A_145 : vector<1x1x16xf32> to vector<16xf32>
    %swap3A_147 = vector.shape_cast %broadcast_in_dim3A_139 : vector<16xf32> to vector<1x1x16xf32>
    tpu.vector_store %arg10[%swap3A_142, %swap3A_143, %swap3A_144], %swap3A_147 {strides = array<i32>} : memref<4x16x16xf32, #tpu.memory_space<vmem>>, vector<1x1x16xf32>,
    %broadcast_in_dim3A_148 = arith.constant 0.000000e+00 : f32
    %broadcast_in_dim3A_149 = vector.broadcast %broadcast_in_dim3A_148 : f32 to vector<16xf32>
    %swap3A_150 = arith.constant 0 : i32
    %swap3A_151 = arith.constant 10 : i32
    %swap3A_152 = arith.index_cast %swap3A_150 : i32 to index
    %swap3A_153 = arith.index_cast %swap3A_151 : i32 to index
    %swap3A_154 = arith.constant 0 : index
    %swap3A_155 = tpu.vector_load %arg10[%swap3A_152, %swap3A_153, %swap3A_154] {strides = array<i32>} : memref<4x16x16xf32, #tpu.memory_space<vmem>>, vector<1x1x16xf32>,
    %swap3A_156 = vector.shape_cast %swap3A_155 : vector<1x1x16xf32> to vector<16xf32>
    %swap3A_157 = vector.shape_cast %broadcast_in_dim3A_149 : vector<16xf32> to vector<1x1x16xf32>
    tpu.vector_store %arg10[%swap3A_152, %swap3A_153, %swap3A_154], %swap3A_157 {strides = array<i32>} : memref<4x16x16xf32, #tpu.memory_space<vmem>>, vector<1x1x16xf32>,
    %broadcast_in_dim3A_158 = arith.constant 0.000000e+00 : f32
    %broadcast_in_dim3A_159 = vector.broadcast %broadcast_in_dim3A_158 : f32 to vector<16xf32>
    %swap3A_160 = arith.constant 0 : i32
    %swap3A_161 = arith.constant 11 : i32
    %swap3A_162 = arith.index_cast %swap3A_160 : i32 to index
    %swap3A_163 = arith.index_cast %swap3A_161 : i32 to index
    %swap3A_164 = arith.constant 0 : index
    %swap3A_165 = tpu.vector_load %arg10[%swap3A_162, %swap3A_163, %swap3A_164] {strides = array<i32>} : memref<4x16x16xf32, #tpu.memory_space<vmem>>, vector<1x1x16xf32>,
    %swap3A_166 = vector.shape_cast %swap3A_165 : vector<1x1x16xf32> to vector<16xf32>
    %swap3A_167 = vector.shape_cast %broadcast_in_dim3A_159 : vector<16xf32> to vector<1x1x16xf32>
    tpu.vector_store %arg10[%swap3A_162, %swap3A_163, %swap3A_164], %swap3A_167 {strides = array<i32>} : memref<4x16x16xf32, #tpu.memory_space<vmem>>, vector<1x1x16xf32>,
    %broadcast_in_dim3A_168 = arith.constant 0.000000e+00 : f32
    %broadcast_in_dim3A_169 = vector.broadcast %broadcast_in_dim3A_168 : f32 to vector<16xf32>
    %swap3A_170 = arith.constant 0 : i32
    %swap3A_171 = arith.constant 12 : i32
    %swap3A_172 = arith.index_cast %swap3A_170 : i32 to index
    %swap3A_173 = arith.index_cast %swap3A_171 : i32 to index
    %swap3A_174 = arith.constant 0 : index
    %swap3A_175 = tpu.vector_load %arg10[%swap3A_172, %swap3A_173, %swap3A_174] {strides = array<i32>} : memref<4x16x16xf32, #tpu.memory_space<vmem>>, vector<1x1x16xf32>,
    %swap3A_176 = vector.shape_cast %swap3A_175 : vector<1x1x16xf32> to vector<16xf32>
    %swap3A_177 = vector.shape_cast %broadcast_in_dim3A_169 : vector<16xf32> to vector<1x1x16xf32>
    tpu.vector_store %arg10[%swap3A_172, %swap3A_173, %swap3A_174], %swap3A_177 {strides = array<i32>} : memref<4x16x16xf32, #tpu.memory_space<vmem>>, vector<1x1x16xf32>,
    %broadcast_in_dim3A_178 = arith.constant 0.000000e+00 : f32
    %broadcast_in_dim3A_179 = vector.broadcast %broadcast_in_dim3A_178 : f32 to vector<16xf32>
    %swap3A_180 = arith.constant 0 : i32
    %swap3A_181 = arith.constant 13 : i32
    %swap3A_182 = arith.index_cast %swap3A_180 : i32 to index
    %swap3A_183 = arith.index_cast %swap3A_181 : i32 to index
    %swap3A_184 = arith.constant 0 : index
    %swap3A_185 = tpu.vector_load %arg10[%swap3A_182, %swap3A_183, %swap3A_184] {strides = array<i32>} : memref<4x16x16xf32, #tpu.memory_space<vmem>>, vector<1x1x16xf32>,
    %swap3A_186 = vector.shape_cast %swap3A_185 : vector<1x1x16xf32> to vector<16xf32>
    %swap3A_187 = vector.shape_cast %broadcast_in_dim3A_179 : vector<16xf32> to vector<1x1x16xf32>
    tpu.vector_store %arg10[%swap3A_182, %swap3A_183, %swap3A_184], %swap3A_187 {strides = array<i32>} : memref<4x16x16xf32, #tpu.memory_space<vmem>>, vector<1x1x16xf32>,
    %broadcast_in_dim3A_188 = arith.constant 0.000000e+00 : f32
    %broadcast_in_dim3A_189 = vector.broadcast %broadcast_in_dim3A_188 : f32 to vector<16xf32>
    %swap3A_190 = arith.constant 0 : i32
    %swap3A_191 = arith.constant 14 : i32
    %swap3A_192 = arith.index_cast %swap3A_190 : i32 to index
    %swap3A_193 = arith.index_cast %swap3A_191 : i32 to index
    %swap3A_194 = arith.constant 0 : index
    %swap3A_195 = tpu.vector_load %arg10[%swap3A_192, %swap3A_193, %swap3A_194] {strides = array<i32>} : memref<4x16x16xf32, #tpu.memory_space<vmem>>, vector<1x1x16xf32>,
    %swap3A_196 = vector.shape_cast %swap3A_195 : vector<1x1x16xf32> to vector<16xf32>
    %swap3A_197 = vector.shape_cast %broadcast_in_dim3A_189 : vector<16xf32> to vector<1x1x16xf32>
    tpu.vector_store %arg10[%swap3A_192, %swap3A_193, %swap3A_194], %swap3A_197 {strides = array<i32>} : memref<4x16x16xf32, #tpu.memory_space<vmem>>, vector<1x1x16xf32>,
    %broadcast_in_dim3A_198 = arith.constant 0.000000e+00 : f32
    %broadcast_in_dim3A_199 = vector.broadcast %broadcast_in_dim3A_198 : f32 to vector<16xf32>
    %swap3A_200 = arith.constant 0 : i32
    %swap3A_201 = arith.constant 15 : i32
    %swap3A_202 = arith.index_cast %swap3A_200 : i32 to index
    %swap3A_203 = arith.index_cast %swap3A_201 : i32 to index
    %swap3A_204 = arith.constant 0 : index
    %swap3A_205 = tpu.vector_load %arg10[%swap3A_202, %swap3A_203, %swap3A_204] {strides = array<i32>} : memref<4x16x16xf32, #tpu.memory_space<vmem>>, vector<1x1x16xf32>,
    %swap3A_206 = vector.shape_cast %swap3A_205 : vector<1x1x16xf32> to vector<16xf32>
    %swap3A_207 = vector.shape_cast %broadcast_in_dim3A_199 : vector<16xf32> to vector<1x1x16xf32>
    tpu.vector_store %arg10[%swap3A_202, %swap3A_203, %swap3A_204], %swap3A_207 {strides = array<i32>} : memref<4x16x16xf32, #tpu.memory_space<vmem>>, vector<1x1x16xf32>,
    %broadcast_in_dim3A_208 = arith.constant 0.000000e+00 : f32
    %broadcast_in_dim3A_209 = vector.broadcast %broadcast_in_dim3A_208 : f32 to vector<16xf32>
    %swap3A_210 = arith.constant 1 : i32
    %swap3A_211 = arith.constant 0 : i32
    %swap3A_212 = arith.index_cast %swap3A_210 : i32 to index
    %swap3A_213 = arith.index_cast %swap3A_211 : i32 to index
    %swap3A_214 = arith.constant 0 : index
    %swap3A_215 = tpu.vector_load %arg10[%swap3A_212, %swap3A_213, %swap3A_214] {strides = array<i32>} : memref<4x16x16xf32, #tpu.memory_space<vmem>>, vector<1x1x16xf32>,
    %swap3A_216 = vector.shape_cast %swap3A_215 : vector<1x1x16xf32> to vector<16xf32>
    %swap3A_217 = vector.shape_cast %broadcast_in_dim3A_209 : vector<16xf32> to vector<1x1x16xf32>
    tpu.vector_store %arg10[%swap3A_212, %swap3A_213, %swap3A_214], %swap3A_217 {strides = array<i32>} : memref<4x16x16xf32, #tpu.memory_space<vmem>>, vector<1x1x16xf32>,
    %broadcast_in_dim3A_218 = arith.constant 0.000000e+00 : f32
    %broadcast_in_dim3A_219 = vector.broadcast %broadcast_in_dim3A_218 : f32 to vector<16xf32>
    %swap3A_220 = arith.constant 1 : i32
    %swap3A_221 = arith.constant 1 : i32
    %swap3A_222 = arith.index_cast %swap3A_220 : i32 to index
    %swap3A_223 = arith.index_cast %swap3A_221 : i32 to index
    %swap3A_224 = arith.constant 0 : index
    %swap3A_225 = tpu.vector_load %arg10[%swap3A_222, %swap3A_223, %swap3A_224] {strides = array<i32>} : memref<4x16x16xf32, #tpu.memory_space<vmem>>, vector<1x1x16xf32>,
    %swap3A_226 = vector.shape_cast %swap3A_225 : vector<1x1x16xf32> to vector<16xf32>
    %swap3A_227 = vector.shape_cast %broadcast_in_dim3A_219 : vector<16xf32> to vector<1x1x16xf32>
    tpu.vector_store %arg10[%swap3A_222, %swap3A_223, %swap3A_224], %swap3A_227 {strides = array<i32>} : memref<4x16x16xf32, #tpu.memory_space<vmem>>, vector<1x1x16xf32>,
    %broadcast_in_dim3A_228 = arith.constant 0.000000e+00 : f32
    %broadcast_in_dim3A_229 = vector.broadcast %broadcast_in_dim3A_228 : f32 to vector<16xf32>
    %swap3A_230 = arith.constant 1 : i32
    %swap3A_231 = arith.constant 2 : i32
    %swap3A_232 = arith.index_cast %swap3A_230 : i32 to index
    %swap3A_233 = arith.index_cast %swap3A_231 : i32 to index
    %swap3A_234 = arith.constant 0 : index
    %swap3A_235 = tpu.vector_load %arg10[%swap3A_232, %swap3A_233, %swap3A_234] {strides = array<i32>} : memref<4x16x16xf32, #tpu.memory_space<vmem>>, vector<1x1x16xf32>,
    %swap3A_236 = vector.shape_cast %swap3A_235 : vector<1x1x16xf32> to vector<16xf32>
    %swap3A_237 = vector.shape_cast %broadcast_in_dim3A_229 : vector<16xf32> to vector<1x1x16xf32>
    tpu.vector_store %arg10[%swap3A_232, %swap3A_233, %swap3A_234], %swap3A_237 {strides = array<i32>} : memref<4x16x16xf32, #tpu.memory_space<vmem>>, vector<1x1x16xf32>,
    %broadcast_in_dim3A_238 = arith.constant 0.000000e+00 : f32
    %broadcast_in_dim3A_239 = vector.broadcast %broadcast_in_dim3A_238 : f32 to vector<16xf32>
    %swap3A_240 = arith.constant 1 : i32
    %swap3A_241 = arith.constant 3 : i32
    %swap3A_242 = arith.index_cast %swap3A_240 : i32 to index
    %swap3A_243 = arith.index_cast %swap3A_241 : i32 to index
    %swap3A_244 = arith.constant 0 : index
    %swap3A_245 = tpu.vector_load %arg10[%swap3A_242, %swap3A_243, %swap3A_244] {strides = array<i32>} : memref<4x16x16xf32, #tpu.memory_space<vmem>>, vector<1x1x16xf32>,
    %swap3A_246 = vector.shape_cast %swap3A_245 : vector<1x1x16xf32> to vector<16xf32>
    %swap3A_247 = vector.shape_cast %broadcast_in_dim3A_239 : vector<16xf32> to vector<1x1x16xf32>
    tpu.vector_store %arg10[%swap3A_242, %swap3A_243, %swap3A_244], %swap3A_247 {strides = array<i32>} : memref<4x16x16xf32, #tpu.memory_space<vmem>>, vector<1x1x16xf32>,
    %broadcast_in_dim3A_248 = arith.constant 0.000000e+00 : f32
    %broadcast_in_dim3A_249 = vector.broadcast %broadcast_in_dim3A_248 : f32 to vector<16xf32>
    %swap3A_250 = arith.constant 1 : i32
    %swap3A_251 = arith.constant 4 : i32
    %swap3A_252 = arith.index_cast %swap3A_250 : i32 to index
    %swap3A_253 = arith.index_cast %swap3A_251 : i32 to index
    %swap3A_254 = arith.constant 0 : index
    %swap3A_255 = tpu.vector_load %arg10[%swap3A_252, %swap3A_253, %swap3A_254] {strides = array<i32>} : memref<4x16x16xf32, #tpu.memory_space<vmem>>, vector<1x1x16xf32>,
    %swap3A_256 = vector.shape_cast %swap3A_255 : vector<1x1x16xf32> to vector<16xf32>
    %swap3A_257 = vector.shape_cast %broadcast_in_dim3A_249 : vector<16xf32> to vector<1x1x16xf32>
    tpu.vector_store %arg10[%swap3A_252, %swap3A_253, %swap3A_254], %swap3A_257 {strides = array<i32>} : memref<4x16x16xf32, #tpu.memory_space<vmem>>, vector<1x1x16xf32>,
    %broadcast_in_dim3A_258 = arith.constant 0.000000e+00 : f32
    %broadcast_in_dim3A_259 = vector.broadcast %broadcast_in_dim3A_258 : f32 to vector<16xf32>
    %swap3A_260 = arith.constant 1 : i32
    %swap3A_261 = arith.constant 5 : i32
    %swap3A_262 = arith.index_cast %swap3A_260 : i32 to index
    %swap3A_263 = arith.index_cast %swap3A_261 : i32 to index
    %swap3A_264 = arith.constant 0 : index
    %swap3A_265 = tpu.vector_load %arg10[%swap3A_262, %swap3A_263, %swap3A_264] {strides = array<i32>} : memref<4x16x16xf32, #tpu.memory_space<vmem>>, vector<1x1x16xf32>,
    %swap3A_266 = vector.shape_cast %swap3A_265 : vector<1x1x16xf32> to vector<16xf32>
    %swap3A_267 = vector.shape_cast %broadcast_in_dim3A_259 : vector<16xf32> to vector<1x1x16xf32>
    tpu.vector_store %arg10[%swap3A_262, %swap3A_263, %swap3A_264], %swap3A_267 {strides = array<i32>} : memref<4x16x16xf32, #tpu.memory_space<vmem>>, vector<1x1x16xf32>,
    %broadcast_in_dim3A_268 = arith.constant 0.000000e+00 : f32
    %broadcast_in_dim3A_269 = vector.broadcast %broadcast_in_dim3A_268 : f32 to vector<16xf32>
    %swap3A_270 = arith.constant 1 : i32
    %swap3A_271 = arith.constant 6 : i32
    %swap3A_272 = arith.index_cast %swap3A_270 : i32 to index
    %swap3A_273 = arith.index_cast %swap3A_271 : i32 to index
    %swap3A_274 = arith.constant 0 : index
    %swap3A_275 = tpu.vector_load %arg10[%swap3A_272, %swap3A_273, %swap3A_274] {strides = array<i32>} : memref<4x16x16xf32, #tpu.memory_space<vmem>>, vector<1x1x16xf32>,
    %swap3A_276 = vector.shape_cast %swap3A_275 : vector<1x1x16xf32> to vector<16xf32>
    %swap3A_277 = vector.shape_cast %broadcast_in_dim3A_269 : vector<16xf32> to vector<1x1x16xf32>
    tpu.vector_store %arg10[%swap3A_272, %swap3A_273, %swap3A_274], %swap3A_277 {strides = array<i32>} : memref<4x16x16xf32, #tpu.memory_space<vmem>>, vector<1x1x16xf32>,
    %broadcast_in_dim3A_278 = arith.constant 0.000000e+00 : f32
    %broadcast_in_dim3A_279 = vector.broadcast %broadcast_in_dim3A_278 : f32 to vector<16xf32>
    %swap3A_280 = arith.constant 1 : i32
    %swap3A_281 = arith.constant 7 : i32
    %swap3A_282 = arith.index_cast %swap3A_280 : i32 to index
    %swap3A_283 = arith.index_cast %swap3A_281 : i32 to index
    %swap3A_284 = arith.constant 0 : index
    %swap3A_285 = tpu.vector_load %arg10[%swap3A_282, %swap3A_283, %swap3A_284] {strides = array<i32>} : memref<4x16x16xf32, #tpu.memory_space<vmem>>, vector<1x1x16xf32>,
    %swap3A_286 = vector.shape_cast %swap3A_285 : vector<1x1x16xf32> to vector<16xf32>
    %swap3A_287 = vector.shape_cast %broadcast_in_dim3A_279 : vector<16xf32> to vector<1x1x16xf32>
    tpu.vector_store %arg10[%swap3A_282, %swap3A_283, %swap3A_284], %swap3A_287 {strides = array<i32>} : memref<4x16x16xf32, #tpu.memory_space<vmem>>, vector<1x1x16xf32>,
    %broadcast_in_dim3A_288 = arith.constant 0.000000e+00 : f32
    %broadcast_in_dim3A_289 = vector.broadcast %broadcast_in_dim3A_288 : f32 to vector<16xf32>
    %swap3A_290 = arith.constant 1 : i32
    %swap3A_291 = arith.constant 8 : i32
    %swap3A_292 = arith.index_cast %swap3A_290 : i32 to index
    %swap3A_293 = arith.index_cast %swap3A_291 : i32 to index
    %swap3A_294 = arith.constant 0 : index
    %swap3A_295 = tpu.vector_load %arg10[%swap3A_292, %swap3A_293, %swap3A_294] {strides = array<i32>} : memref<4x16x16xf32, #tpu.memory_space<vmem>>, vector<1x1x16xf32>,
    %swap3A_296 = vector.shape_cast %swap3A_295 : vector<1x1x16xf32> to vector<16xf32>
    %swap3A_297 = vector.shape_cast %broadcast_in_dim3A_289 : vector<16xf32> to vector<1x1x16xf32>
    tpu.vector_store %arg10[%swap3A_292, %swap3A_293, %swap3A_294], %swap3A_297 {strides = array<i32>} : memref<4x16x16xf32, #tpu.memory_space<vmem>>, vector<1x1x16xf32>,
    %broadcast_in_dim3A_298 = arith.constant 0.000000e+00 : f32
    %broadcast_in_dim3A_299 = vector.broadcast %broadcast_in_dim3A_298 : f32 to vector<16xf32>
    %swap3A_300 = arith.constant 1 : i32
    %swap3A_301 = arith.constant 9 : i32
    %swap3A_302 = arith.index_cast %swap3A_300 : i32 to index
    %swap3A_303 = arith.index_cast %swap3A_301 : i32 to index
    %swap3A_304 = arith.constant 0 : index
    %swap3A_305 = tpu.vector_load %arg10[%swap3A_302, %swap3A_303, %swap3A_304] {strides = array<i32>} : memref<4x16x16xf32, #tpu.memory_space<vmem>>, vector<1x1x16xf32>,
    %swap3A_306 = vector.shape_cast %swap3A_305 : vector<1x1x16xf32> to vector<16xf32>
    %swap3A_307 = vector.shape_cast %broadcast_in_dim3A_299 : vector<16xf32> to vector<1x1x16xf32>
    tpu.vector_store %arg10[%swap3A_302, %swap3A_303, %swap3A_304], %swap3A_307 {strides = array<i32>} : memref<4x16x16xf32, #tpu.memory_space<vmem>>, vector<1x1x16xf32>,
    %broadcast_in_dim3A_308 = arith.constant 0.000000e+00 : f32
    %broadcast_in_dim3A_309 = vector.broadcast %broadcast_in_dim3A_308 : f32 to vector<16xf32>
    %swap3A_310 = arith.constant 1 : i32
    %swap3A_311 = arith.constant 10 : i32
    %swap3A_312 = arith.index_cast %swap3A_310 : i32 to index
    %swap3A_313 = arith.index_cast %swap3A_311 : i32 to index
    %swap3A_314 = arith.constant 0 : index
    %swap3A_315 = tpu.vector_load %arg10[%swap3A_312, %swap3A_313, %swap3A_314] {strides = array<i32>} : memref<4x16x16xf32, #tpu.memory_space<vmem>>, vector<1x1x16xf32>,
    %swap3A_316 = vector.shape_cast %swap3A_315 : vector<1x1x16xf32> to vector<16xf32>
    %swap3A_317 = vector.shape_cast %broadcast_in_dim3A_309 : vector<16xf32> to vector<1x1x16xf32>
    tpu.vector_store %arg10[%swap3A_312, %swap3A_313, %swap3A_314], %swap3A_317 {strides = array<i32>} : memref<4x16x16xf32, #tpu.memory_space<vmem>>, vector<1x1x16xf32>,
    %broadcast_in_dim3A_318 = arith.constant 0.000000e+00 : f32
    %broadcast_in_dim3A_319 = vector.broadcast %broadcast_in_dim3A_318 : f32 to vector<16xf32>
    %swap3A_320 = arith.constant 1 : i32
    %swap3A_321 = arith.constant 11 : i32
    %swap3A_322 = arith.index_cast %swap3A_320 : i32 to index
    %swap3A_323 = arith.index_cast %swap3A_321 : i32 to index
    %swap3A_324 = arith.constant 0 : index
    %swap3A_325 = tpu.vector_load %arg10[%swap3A_322, %swap3A_323, %swap3A_324] {strides = array<i32>} : memref<4x16x16xf32, #tpu.memory_space<vmem>>, vector<1x1x16xf32>,
    %swap3A_326 = vector.shape_cast %swap3A_325 : vector<1x1x16xf32> to vector<16xf32>
    %swap3A_327 = vector.shape_cast %broadcast_in_dim3A_319 : vector<16xf32> to vector<1x1x16xf32>
    tpu.vector_store %arg10[%swap3A_322, %swap3A_323, %swap3A_324], %swap3A_327 {strides = array<i32>} : memref<4x16x16xf32, #tpu.memory_space<vmem>>, vector<1x1x16xf32>,
    %broadcast_in_dim3A_328 = arith.constant 0.000000e+00 : f32
    %broadcast_in_dim3A_329 = vector.broadcast %broadcast_in_dim3A_328 : f32 to vector<16xf32>
    %swap3A_330 = arith.constant 1 : i32
    %swap3A_331 = arith.constant 12 : i32
    %swap3A_332 = arith.index_cast %swap3A_330 : i32 to index
    %swap3A_333 = arith.index_cast %swap3A_331 : i32 to index
    %swap3A_334 = arith.constant 0 : index
    %swap3A_335 = tpu.vector_load %arg10[%swap3A_332, %swap3A_333, %swap3A_334] {strides = array<i32>} : memref<4x16x16xf32, #tpu.memory_space<vmem>>, vector<1x1x16xf32>,
    %swap3A_336 = vector.shape_cast %swap3A_335 : vector<1x1x16xf32> to vector<16xf32>
    %swap3A_337 = vector.shape_cast %broadcast_in_dim3A_329 : vector<16xf32> to vector<1x1x16xf32>
    tpu.vector_store %arg10[%swap3A_332, %swap3A_333, %swap3A_334], %swap3A_337 {strides = array<i32>} : memref<4x16x16xf32, #tpu.memory_space<vmem>>, vector<1x1x16xf32>,
    %broadcast_in_dim3A_338 = arith.constant 0.000000e+00 : f32
    %broadcast_in_dim3A_339 = vector.broadcast %broadcast_in_dim3A_338 : f32 to vector<16xf32>
    %swap3A_340 = arith.constant 1 : i32
    %swap3A_341 = arith.constant 13 : i32
    %swap3A_342 = arith.index_cast %swap3A_340 : i32 to index
    %swap3A_343 = arith.index_cast %swap3A_341 : i32 to index
    %swap3A_344 = arith.constant 0 : index
    %swap3A_345 = tpu.vector_load %arg10[%swap3A_342, %swap3A_343, %swap3A_344] {strides = array<i32>} : memref<4x16x16xf32, #tpu.memory_space<vmem>>, vector<1x1x16xf32>,
    %swap3A_346 = vector.shape_cast %swap3A_345 : vector<1x1x16xf32> to vector<16xf32>
    %swap3A_347 = vector.shape_cast %broadcast_in_dim3A_339 : vector<16xf32> to vector<1x1x16xf32>
    tpu.vector_store %arg10[%swap3A_342, %swap3A_343, %swap3A_344], %swap3A_347 {strides = array<i32>} : memref<4x16x16xf32, #tpu.memory_space<vmem>>, vector<1x1x16xf32>,
    %broadcast_in_dim3A_348 = arith.constant 0.000000e+00 : f32
    %broadcast_in_dim3A_349 = vector.broadcast %broadcast_in_dim3A_348 : f32 to vector<16xf32>
    %swap3A_350 = arith.constant 1 : i32
    %swap3A_351 = arith.constant 14 : i32
    %swap3A_352 = arith.index_cast %swap3A_350 : i32 to index
    %swap3A_353 = arith.index_cast %swap3A_351 : i32 to index
    %swap3A_354 = arith.constant 0 : index
    %swap3A_355 = tpu.vector_load %arg10[%swap3A_352, %swap3A_353, %swap3A_354] {strides = array<i32>} : memref<4x16x16xf32, #tpu.memory_space<vmem>>, vector<1x1x16xf32>,
    %swap3A_356 = vector.shape_cast %swap3A_355 : vector<1x1x16xf32> to vector<16xf32>
    %swap3A_357 = vector.shape_cast %broadcast_in_dim3A_349 : vector<16xf32> to vector<1x1x16xf32>
    tpu.vector_store %arg10[%swap3A_352, %swap3A_353, %swap3A_354], %swap3A_357 {strides = array<i32>} : memref<4x16x16xf32, #tpu.memory_space<vmem>>, vector<1x1x16xf32>,
    %broadcast_in_dim3A_358 = arith.constant 0.000000e+00 : f32
    %broadcast_in_dim3A_359 = vector.broadcast %broadcast_in_dim3A_358 : f32 to vector<16xf32>
    %swap3A_360 = arith.constant 1 : i32
    %swap3A_361 = arith.constant 15 : i32
    %swap3A_362 = arith.index_cast %swap3A_360 : i32 to index
    %swap3A_363 = arith.index_cast %swap3A_361 : i32 to index
    %swap3A_364 = arith.constant 0 : index
    %swap3A_365 = tpu.vector_load %arg10[%swap3A_362, %swap3A_363, %swap3A_364] {strides = array<i32>} : memref<4x16x16xf32, #tpu.memory_space<vmem>>, vector<1x1x16xf32>,
    %swap3A_366 = vector.shape_cast %swap3A_365 : vector<1x1x16xf32> to vector<16xf32>
    %swap3A_367 = vector.shape_cast %broadcast_in_dim3A_359 : vector<16xf32> to vector<1x1x16xf32>
    tpu.vector_store %arg10[%swap3A_362, %swap3A_363, %swap3A_364], %swap3A_367 {strides = array<i32>} : memref<4x16x16xf32, #tpu.memory_space<vmem>>, vector<1x1x16xf32>,
    %broadcast_in_dim3A_368 = arith.constant 0.000000e+00 : f32
    %broadcast_in_dim3A_369 = vector.broadcast %broadcast_in_dim3A_368 : f32 to vector<16xf32>
    %swap3A_370 = arith.constant 2 : i32
    %swap3A_371 = arith.constant 0 : i32
    %swap3A_372 = arith.index_cast %swap3A_370 : i32 to index
    %swap3A_373 = arith.index_cast %swap3A_371 : i32 to index
    %swap3A_374 = arith.constant 0 : index
    %swap3A_375 = tpu.vector_load %arg10[%swap3A_372, %swap3A_373, %swap3A_374] {strides = array<i32>} : memref<4x16x16xf32, #tpu.memory_space<vmem>>, vector<1x1x16xf32>,
    %swap3A_376 = vector.shape_cast %swap3A_375 : vector<1x1x16xf32> to vector<16xf32>
    %swap3A_377 = vector.shape_cast %broadcast_in_dim3A_369 : vector<16xf32> to vector<1x1x16xf32>
    tpu.vector_store %arg10[%swap3A_372, %swap3A_373, %swap3A_374], %swap3A_377 {strides = array<i32>} : memref<4x16x16xf32, #tpu.memory_space<vmem>>, vector<1x1x16xf32>,
    %broadcast_in_dim3A_378 = arith.constant 0.000000e+00 : f32
    %broadcast_in_dim3A_379 = vector.broadcast %broadcast_in_dim3A_378 : f32 to vector<16xf32>
    %swap3A_380 = arith.constant 2 : i32
    %swap3A_381 = arith.constant 1 : i32
    %swap3A_382 = arith.index_cast %swap3A_380 : i32 to index
    %swap3A_383 = arith.index_cast %swap3A_381 : i32 to index
    %swap3A_384 = arith.constant 0 : index
    %swap3A_385 = tpu.vector_load %arg10[%swap3A_382, %swap3A_383, %swap3A_384] {strides = array<i32>} : memref<4x16x16xf32, #tpu.memory_space<vmem>>, vector<1x1x16xf32>,
    %swap3A_386 = vector.shape_cast %swap3A_385 : vector<1x1x16xf32> to vector<16xf32>
    %swap3A_387 = vector.shape_cast %broadcast_in_dim3A_379 : vector<16xf32> to vector<1x1x16xf32>
    tpu.vector_store %arg10[%swap3A_382, %swap3A_383, %swap3A_384], %swap3A_387 {strides = array<i32>} : memref<4x16x16xf32, #tpu.memory_space<vmem>>, vector<1x1x16xf32>,
    %broadcast_in_dim3A_388 = arith.constant 0.000000e+00 : f32
    %broadcast_in_dim3A_389 = vector.broadcast %broadcast_in_dim3A_388 : f32 to vector<16xf32>
    %swap3A_390 = arith.constant 2 : i32
    %swap3A_391 = arith.constant 2 : i32
    %swap3A_392 = arith.index_cast %swap3A_390 : i32 to index
    %swap3A_393 = arith.index_cast %swap3A_391 : i32 to index
    %swap3A_394 = arith.constant 0 : index
    %swap3A_395 = tpu.vector_load %arg10[%swap3A_392, %swap3A_393, %swap3A_394] {strides = array<i32>} : memref<4x16x16xf32, #tpu.memory_space<vmem>>, vector<1x1x16xf32>,
    %swap3A_396 = vector.shape_cast %swap3A_395 : vector<1x1x16xf32> to vector<16xf32>
    %swap3A_397 = vector.shape_cast %broadcast_in_dim3A_389 : vector<16xf32> to vector<1x1x16xf32>
    tpu.vector_store %arg10[%swap3A_392, %swap3A_393, %swap3A_394], %swap3A_397 {strides = array<i32>} : memref<4x16x16xf32, #tpu.memory_space<vmem>>, vector<1x1x16xf32>,
    %broadcast_in_dim3A_398 = arith.constant 0.000000e+00 : f32
    %broadcast_in_dim3A_399 = vector.broadcast %broadcast_in_dim3A_398 : f32 to vector<16xf32>
    %swap3A_400 = arith.constant 2 : i32
    %swap3A_401 = arith.constant 3 : i32
    %swap3A_402 = arith.index_cast %swap3A_400 : i32 to index
    %swap3A_403 = arith.index_cast %swap3A_401 : i32 to index
    %swap3A_404 = arith.constant 0 : index
    %swap3A_405 = tpu.vector_load %arg10[%swap3A_402, %swap3A_403, %swap3A_404] {strides = array<i32>} : memref<4x16x16xf32, #tpu.memory_space<vmem>>, vector<1x1x16xf32>,
    %swap3A_406 = vector.shape_cast %swap3A_405 : vector<1x1x16xf32> to vector<16xf32>
    %swap3A_407 = vector.shape_cast %broadcast_in_dim3A_399 : vector<16xf32> to vector<1x1x16xf32>
    tpu.vector_store %arg10[%swap3A_402, %swap3A_403, %swap3A_404], %swap3A_407 {strides = array<i32>} : memref<4x16x16xf32, #tpu.memory_space<vmem>>, vector<1x1x16xf32>,
    %broadcast_in_dim3A_408 = arith.constant 0.000000e+00 : f32
    %broadcast_in_dim3A_409 = vector.broadcast %broadcast_in_dim3A_408 : f32 to vector<16xf32>
    %swap3A_410 = arith.constant 2 : i32
    %swap3A_411 = arith.constant 4 : i32
    %swap3A_412 = arith.index_cast %swap3A_410 : i32 to index
    %swap3A_413 = arith.index_cast %swap3A_411 : i32 to index
    %swap3A_414 = arith.constant 0 : index
    %swap3A_415 = tpu.vector_load %arg10[%swap3A_412, %swap3A_413, %swap3A_414] {strides = array<i32>} : memref<4x16x16xf32, #tpu.memory_space<vmem>>, vector<1x1x16xf32>,
    %swap3A_416 = vector.shape_cast %swap3A_415 : vector<1x1x16xf32> to vector<16xf32>
    %swap3A_417 = vector.shape_cast %broadcast_in_dim3A_409 : vector<16xf32> to vector<1x1x16xf32>
    tpu.vector_store %arg10[%swap3A_412, %swap3A_413, %swap3A_414], %swap3A_417 {strides = array<i32>} : memref<4x16x16xf32, #tpu.memory_space<vmem>>, vector<1x1x16xf32>,
    %broadcast_in_dim3A_418 = arith.constant 0.000000e+00 : f32
    %broadcast_in_dim3A_419 = vector.broadcast %broadcast_in_dim3A_418 : f32 to vector<16xf32>
    %swap3A_420 = arith.constant 2 : i32
    %swap3A_421 = arith.constant 5 : i32
    %swap3A_422 = arith.index_cast %swap3A_420 : i32 to index
    %swap3A_423 = arith.index_cast %swap3A_421 : i32 to index
    %swap3A_424 = arith.constant 0 : index
    %swap3A_425 = tpu.vector_load %arg10[%swap3A_422, %swap3A_423, %swap3A_424] {strides = array<i32>} : memref<4x16x16xf32, #tpu.memory_space<vmem>>, vector<1x1x16xf32>,
    %swap3A_426 = vector.shape_cast %swap3A_425 : vector<1x1x16xf32> to vector<16xf32>
    %swap3A_427 = vector.shape_cast %broadcast_in_dim3A_419 : vector<16xf32> to vector<1x1x16xf32>
    tpu.vector_store %arg10[%swap3A_422, %swap3A_423, %swap3A_424], %swap3A_427 {strides = array<i32>} : memref<4x16x16xf32, #tpu.memory_space<vmem>>, vector<1x1x16xf32>,
    %broadcast_in_dim3A_428 = arith.constant 0.000000e+00 : f32
    %broadcast_in_dim3A_429 = vector.broadcast %broadcast_in_dim3A_428 : f32 to vector<16xf32>
    %swap3A_430 = arith.constant 2 : i32
    %swap3A_431 = arith.constant 6 : i32
    %swap3A_432 = arith.index_cast %swap3A_430 : i32 to index
    %swap3A_433 = arith.index_cast %swap3A_431 : i32 to index
    %swap3A_434 = arith.constant 0 : index
    %swap3A_435 = tpu.vector_load %arg10[%swap3A_432, %swap3A_433, %swap3A_434] {strides = array<i32>} : memref<4x16x16xf32, #tpu.memory_space<vmem>>, vector<1x1x16xf32>,
    %swap3A_436 = vector.shape_cast %swap3A_435 : vector<1x1x16xf32> to vector<16xf32>
    %swap3A_437 = vector.shape_cast %broadcast_in_dim3A_429 : vector<16xf32> to vector<1x1x16xf32>
    tpu.vector_store %arg10[%swap3A_432, %swap3A_433, %swap3A_434], %swap3A_437 {strides = array<i32>} : memref<4x16x16xf32, #tpu.memory_space<vmem>>, vector<1x1x16xf32>,
    %broadcast_in_dim3A_438 = arith.constant 0.000000e+00 : f32
    %broadcast_in_dim3A_439 = vector.broadcast %broadcast_in_dim3A_438 : f32 to vector<16xf32>
    %swap3A_440 = arith.constant 2 : i32
    %swap3A_441 = arith.constant 7 : i32
    %swap3A_442 = arith.index_cast %swap3A_440 : i32 to index
    %swap3A_443 = arith.index_cast %swap3A_441 : i32 to index
    %swap3A_444 = arith.constant 0 : index
    %swap3A_445 = tpu.vector_load %arg10[%swap3A_442, %swap3A_443, %swap3A_444] {strides = array<i32>} : memref<4x16x16xf32, #tpu.memory_space<vmem>>, vector<1x1x16xf32>,
    %swap3A_446 = vector.shape_cast %swap3A_445 : vector<1x1x16xf32> to vector<16xf32>
    %swap3A_447 = vector.shape_cast %broadcast_in_dim3A_439 : vector<16xf32> to vector<1x1x16xf32>
    tpu.vector_store %arg10[%swap3A_442, %swap3A_443, %swap3A_444], %swap3A_447 {strides = array<i32>} : memref<4x16x16xf32, #tpu.memory_space<vmem>>, vector<1x1x16xf32>,
    %broadcast_in_dim3A_448 = arith.constant 0.000000e+00 : f32
    %broadcast_in_dim3A_449 = vector.broadcast %broadcast_in_dim3A_448 : f32 to vector<16xf32>
    %swap3A_450 = arith.constant 2 : i32
    %swap3A_451 = arith.constant 8 : i32
    %swap3A_452 = arith.index_cast %swap3A_450 : i32 to index
    %swap3A_453 = arith.index_cast %swap3A_451 : i32 to index
    %swap3A_454 = arith.constant 0 : index
    %swap3A_455 = tpu.vector_load %arg10[%swap3A_452, %swap3A_453, %swap3A_454] {strides = array<i32>} : memref<4x16x16xf32, #tpu.memory_space<vmem>>, vector<1x1x16xf32>,
    %swap3A_456 = vector.shape_cast %swap3A_455 : vector<1x1x16xf32> to vector<16xf32>
    %swap3A_457 = vector.shape_cast %broadcast_in_dim3A_449 : vector<16xf32> to vector<1x1x16xf32>
    tpu.vector_store %arg10[%swap3A_452, %swap3A_453, %swap3A_454], %swap3A_457 {strides = array<i32>} : memref<4x16x16xf32, #tpu.memory_space<vmem>>, vector<1x1x16xf32>,
    %broadcast_in_dim3A_458 = arith.constant 0.000000e+00 : f32
    %broadcast_in_dim3A_459 = vector.broadcast %broadcast_in_dim3A_458 : f32 to vector<16xf32>
    %swap3A_460 = arith.constant 2 : i32
    %swap3A_461 = arith.constant 9 : i32
    %swap3A_462 = arith.index_cast %swap3A_460 : i32 to index
    %swap3A_463 = arith.index_cast %swap3A_461 : i32 to index
    %swap3A_464 = arith.constant 0 : index
    %swap3A_465 = tpu.vector_load %arg10[%swap3A_462, %swap3A_463, %swap3A_464] {strides = array<i32>} : memref<4x16x16xf32, #tpu.memory_space<vmem>>, vector<1x1x16xf32>,
    %swap3A_466 = vector.shape_cast %swap3A_465 : vector<1x1x16xf32> to vector<16xf32>
    %swap3A_467 = vector.shape_cast %broadcast_in_dim3A_459 : vector<16xf32> to vector<1x1x16xf32>
    tpu.vector_store %arg10[%swap3A_462, %swap3A_463, %swap3A_464], %swap3A_467 {strides = array<i32>} : memref<4x16x16xf32, #tpu.memory_space<vmem>>, vector<1x1x16xf32>,
    %broadcast_in_dim3A_468 = arith.constant 0.000000e+00 : f32
    %broadcast_in_dim3A_469 = vector.broadcast %broadcast_in_dim3A_468 : f32 to vector<16xf32>
    %swap3A_470 = arith.constant 2 : i32
    %swap3A_471 = arith.constant 10 : i32
    %swap3A_472 = arith.index_cast %swap3A_470 : i32 to index
    %swap3A_473 = arith.index_cast %swap3A_471 : i32 to index
    %swap3A_474 = arith.constant 0 : index
    %swap3A_475 = tpu.vector_load %arg10[%swap3A_472, %swap3A_473, %swap3A_474] {strides = array<i32>} : memref<4x16x16xf32, #tpu.memory_space<vmem>>, vector<1x1x16xf32>,
    %swap3A_476 = vector.shape_cast %swap3A_475 : vector<1x1x16xf32> to vector<16xf32>
    %swap3A_477 = vector.shape_cast %broadcast_in_dim3A_469 : vector<16xf32> to vector<1x1x16xf32>
    tpu.vector_store %arg10[%swap3A_472, %swap3A_473, %swap3A_474], %swap3A_477 {strides = array<i32>} : memref<4x16x16xf32, #tpu.memory_space<vmem>>, vector<1x1x16xf32>,
    %broadcast_in_dim3A_478 = arith.constant 0.000000e+00 : f32
    %broadcast_in_dim3A_479 = vector.broadcast %broadcast_in_dim3A_478 : f32 to vector<16xf32>
    %swap3A_480 = arith.constant 2 : i32
    %swap3A_481 = arith.constant 11 : i32
    %swap3A_482 = arith.index_cast %swap3A_480 : i32 to index
    %swap3A_483 = arith.index_cast %swap3A_481 : i32 to index
    %swap3A_484 = arith.constant 0 : index
    %swap3A_485 = tpu.vector_load %arg10[%swap3A_482, %swap3A_483, %swap3A_484] {strides = array<i32>} : memref<4x16x16xf32, #tpu.memory_space<vmem>>, vector<1x1x16xf32>,
    %swap3A_486 = vector.shape_cast %swap3A_485 : vector<1x1x16xf32> to vector<16xf32>
    %swap3A_487 = vector.shape_cast %broadcast_in_dim3A_479 : vector<16xf32> to vector<1x1x16xf32>
    tpu.vector_store %arg10[%swap3A_482, %swap3A_483, %swap3A_484], %swap3A_487 {strides = array<i32>} : memref<4x16x16xf32, #tpu.memory_space<vmem>>, vector<1x1x16xf32>,
    %broadcast_in_dim3A_488 = arith.constant 0.000000e+00 : f32
    %broadcast_in_dim3A_489 = vector.broadcast %broadcast_in_dim3A_488 : f32 to vector<16xf32>
    %swap3A_490 = arith.constant 2 : i32
    %swap3A_491 = arith.constant 12 : i32
    %swap3A_492 = arith.index_cast %swap3A_490 : i32 to index
    %swap3A_493 = arith.index_cast %swap3A_491 : i32 to index
    %swap3A_494 = arith.constant 0 : index
    %swap3A_495 = tpu.vector_load %arg10[%swap3A_492, %swap3A_493, %swap3A_494] {strides = array<i32>} : memref<4x16x16xf32, #tpu.memory_space<vmem>>, vector<1x1x16xf32>,
    %swap3A_496 = vector.shape_cast %swap3A_495 : vector<1x1x16xf32> to vector<16xf32>
    %swap3A_497 = vector.shape_cast %broadcast_in_dim3A_489 : vector<16xf32> to vector<1x1x16xf32>
    tpu.vector_store %arg10[%swap3A_492, %swap3A_493, %swap3A_494], %swap3A_497 {strides = array<i32>} : memref<4x16x16xf32, #tpu.memory_space<vmem>>, vector<1x1x16xf32>,
    %broadcast_in_dim3A_498 = arith.constant 0.000000e+00 : f32
    %broadcast_in_dim3A_499 = vector.broadcast %broadcast_in_dim3A_498 : f32 to vector<16xf32>
    %swap3A_500 = arith.constant 2 : i32
    %swap3A_501 = arith.constant 13 : i32
    %swap3A_502 = arith.index_cast %swap3A_500 : i32 to index
    %swap3A_503 = arith.index_cast %swap3A_501 : i32 to index
    %swap3A_504 = arith.constant 0 : index
    %swap3A_505 = tpu.vector_load %arg10[%swap3A_502, %swap3A_503, %swap3A_504] {strides = array<i32>} : memref<4x16x16xf32, #tpu.memory_space<vmem>>, vector<1x1x16xf32>,
    %swap3A_506 = vector.shape_cast %swap3A_505 : vector<1x1x16xf32> to vector<16xf32>
    %swap3A_507 = vector.shape_cast %broadcast_in_dim3A_499 : vector<16xf32> to vector<1x1x16xf32>
    tpu.vector_store %arg10[%swap3A_502, %swap3A_503, %swap3A_504], %swap3A_507 {strides = array<i32>} : memref<4x16x16xf32, #tpu.memory_space<vmem>>, vector<1x1x16xf32>,
    %broadcast_in_dim3A_508 = arith.constant 0.000000e+00 : f32
    %broadcast_in_dim3A_509 = vector.broadcast %broadcast_in_dim3A_508 : f32 to vector<16xf32>
    %swap3A_510 = arith.constant 2 : i32
    %swap3A_511 = arith.constant 14 : i32
    %swap3A_512 = arith.index_cast %swap3A_510 : i32 to index
    %swap3A_513 = arith.index_cast %swap3A_511 : i32 to index
    %swap3A_514 = arith.constant 0 : index
    %swap3A_515 = tpu.vector_load %arg10[%swap3A_512, %swap3A_513, %swap3A_514] {strides = array<i32>} : memref<4x16x16xf32, #tpu.memory_space<vmem>>, vector<1x1x16xf32>,
    %swap3A_516 = vector.shape_cast %swap3A_515 : vector<1x1x16xf32> to vector<16xf32>
    %swap3A_517 = vector.shape_cast %broadcast_in_dim3A_509 : vector<16xf32> to vector<1x1x16xf32>
    tpu.vector_store %arg10[%swap3A_512, %swap3A_513, %swap3A_514], %swap3A_517 {strides = array<i32>} : memref<4x16x16xf32, #tpu.memory_space<vmem>>, vector<1x1x16xf32>,
    %broadcast_in_dim3A_518 = arith.constant 0.000000e+00 : f32
    %broadcast_in_dim3A_519 = vector.broadcast %broadcast_in_dim3A_518 : f32 to vector<16xf32>
    %swap3A_520 = arith.constant 2 : i32
    %swap3A_521 = arith.constant 15 : i32
    %swap3A_522 = arith.index_cast %swap3A_520 : i32 to index
    %swap3A_523 = arith.index_cast %swap3A_521 : i32 to index
    %swap3A_524 = arith.constant 0 : index
    %swap3A_525 = tpu.vector_load %arg10[%swap3A_522, %swap3A_523, %swap3A_524] {strides = array<i32>} : memref<4x16x16xf32, #tpu.memory_space<vmem>>, vector<1x1x16xf32>,
    %swap3A_526 = vector.shape_cast %swap3A_525 : vector<1x1x16xf32> to vector<16xf32>
    %swap3A_527 = vector.shape_cast %broadcast_in_dim3A_519 : vector<16xf32> to vector<1x1x16xf32>
    tpu.vector_store %arg10[%swap3A_522, %swap3A_523, %swap3A_524], %swap3A_527 {strides = array<i32>} : memref<4x16x16xf32, #tpu.memory_space<vmem>>, vector<1x1x16xf32>,
    %broadcast_in_dim3A_528 = arith.constant 0.000000e+00 : f32
    %broadcast_in_dim3A_529 = vector.broadcast %broadcast_in_dim3A_528 : f32 to vector<16xf32>
    %swap3A_530 = arith.constant 3 : i32
    %swap3A_531 = arith.constant 0 : i32
    %swap3A_532 = arith.index_cast %swap3A_530 : i32 to index
    %swap3A_533 = arith.index_cast %swap3A_531 : i32 to index
    %swap3A_534 = arith.constant 0 : index
    %swap3A_535 = tpu.vector_load %arg10[%swap3A_532, %swap3A_533, %swap3A_534] {strides = array<i32>} : memref<4x16x16xf32, #tpu.memory_space<vmem>>, vector<1x1x16xf32>,
    %swap3A_536 = vector.shape_cast %swap3A_535 : vector<1x1x16xf32> to vector<16xf32>
    %swap3A_537 = vector.shape_cast %broadcast_in_dim3A_529 : vector<16xf32> to vector<1x1x16xf32>
    tpu.vector_store %arg10[%swap3A_532, %swap3A_533, %swap3A_534], %swap3A_537 {strides = array<i32>} : memref<4x16x16xf32, #tpu.memory_space<vmem>>, vector<1x1x16xf32>,
    %broadcast_in_dim3A_538 = arith.constant 0.000000e+00 : f32
    %broadcast_in_dim3A_539 = vector.broadcast %broadcast_in_dim3A_538 : f32 to vector<16xf32>
    %swap3A_540 = arith.constant 3 : i32
    %swap3A_541 = arith.constant 1 : i32
    %swap3A_542 = arith.index_cast %swap3A_540 : i32 to index
    %swap3A_543 = arith.index_cast %swap3A_541 : i32 to index
    %swap3A_544 = arith.constant 0 : index
    %swap3A_545 = tpu.vector_load %arg10[%swap3A_542, %swap3A_543, %swap3A_544] {strides = array<i32>} : memref<4x16x16xf32, #tpu.memory_space<vmem>>, vector<1x1x16xf32>,
    %swap3A_546 = vector.shape_cast %swap3A_545 : vector<1x1x16xf32> to vector<16xf32>
    %swap3A_547 = vector.shape_cast %broadcast_in_dim3A_539 : vector<16xf32> to vector<1x1x16xf32>
    tpu.vector_store %arg10[%swap3A_542, %swap3A_543, %swap3A_544], %swap3A_547 {strides = array<i32>} : memref<4x16x16xf32, #tpu.memory_space<vmem>>, vector<1x1x16xf32>,
    %broadcast_in_dim3A_548 = arith.constant 0.000000e+00 : f32
    %broadcast_in_dim3A_549 = vector.broadcast %broadcast_in_dim3A_548 : f32 to vector<16xf32>
    %swap3A_550 = arith.constant 3 : i32
    %swap3A_551 = arith.constant 2 : i32
    %swap3A_552 = arith.index_cast %swap3A_550 : i32 to index
    %swap3A_553 = arith.index_cast %swap3A_551 : i32 to index
    %swap3A_554 = arith.constant 0 : index
    %swap3A_555 = tpu.vector_load %arg10[%swap3A_552, %swap3A_553, %swap3A_554] {strides = array<i32>} : memref<4x16x16xf32, #tpu.memory_space<vmem>>, vector<1x1x16xf32>,
    %swap3A_556 = vector.shape_cast %swap3A_555 : vector<1x1x16xf32> to vector<16xf32>
    %swap3A_557 = vector.shape_cast %broadcast_in_dim3A_549 : vector<16xf32> to vector<1x1x16xf32>
    tpu.vector_store %arg10[%swap3A_552, %swap3A_553, %swap3A_554], %swap3A_557 {strides = array<i32>} : memref<4x16x16xf32, #tpu.memory_space<vmem>>, vector<1x1x16xf32>,
    %broadcast_in_dim3A_558 = arith.constant 0.000000e+00 : f32
    %broadcast_in_dim3A_559 = vector.broadcast %broadcast_in_dim3A_558 : f32 to vector<16xf32>
    %swap3A_560 = arith.constant 3 : i32
    %swap3A_561 = arith.constant 3 : i32
    %swap3A_562 = arith.index_cast %swap3A_560 : i32 to index
    %swap3A_563 = arith.index_cast %swap3A_561 : i32 to index
    %swap3A_564 = arith.constant 0 : index
    %swap3A_565 = tpu.vector_load %arg10[%swap3A_562, %swap3A_563, %swap3A_564] {strides = array<i32>} : memref<4x16x16xf32, #tpu.memory_space<vmem>>, vector<1x1x16xf32>,
    %swap3A_566 = vector.shape_cast %swap3A_565 : vector<1x1x16xf32> to vector<16xf32>
    %swap3A_567 = vector.shape_cast %broadcast_in_dim3A_559 : vector<16xf32> to vector<1x1x16xf32>
    tpu.vector_store %arg10[%swap3A_562, %swap3A_563, %swap3A_564], %swap3A_567 {strides = array<i32>} : memref<4x16x16xf32, #tpu.memory_space<vmem>>, vector<1x1x16xf32>,
    %broadcast_in_dim3A_568 = arith.constant 0.000000e+00 : f32
    %broadcast_in_dim3A_569 = vector.broadcast %broadcast_in_dim3A_568 : f32 to vector<16xf32>
    %swap3A_570 = arith.constant 3 : i32
    %swap3A_571 = arith.constant 4 : i32
    %swap3A_572 = arith.index_cast %swap3A_570 : i32 to index
    %swap3A_573 = arith.index_cast %swap3A_571 : i32 to index
    %swap3A_574 = arith.constant 0 : index
    %swap3A_575 = tpu.vector_load %arg10[%swap3A_572, %swap3A_573, %swap3A_574] {strides = array<i32>} : memref<4x16x16xf32, #tpu.memory_space<vmem>>, vector<1x1x16xf32>,
    %swap3A_576 = vector.shape_cast %swap3A_575 : vector<1x1x16xf32> to vector<16xf32>
    %swap3A_577 = vector.shape_cast %broadcast_in_dim3A_569 : vector<16xf32> to vector<1x1x16xf32>
    tpu.vector_store %arg10[%swap3A_572, %swap3A_573, %swap3A_574], %swap3A_577 {strides = array<i32>} : memref<4x16x16xf32, #tpu.memory_space<vmem>>, vector<1x1x16xf32>,
    %broadcast_in_dim3A_578 = arith.constant 0.000000e+00 : f32
    %broadcast_in_dim3A_579 = vector.broadcast %broadcast_in_dim3A_578 : f32 to vector<16xf32>
    %swap3A_580 = arith.constant 3 : i32
    %swap3A_581 = arith.constant 5 : i32
    %swap3A_582 = arith.index_cast %swap3A_580 : i32 to index
    %swap3A_583 = arith.index_cast %swap3A_581 : i32 to index
    %swap3A_584 = arith.constant 0 : index
    %swap3A_585 = tpu.vector_load %arg10[%swap3A_582, %swap3A_583, %swap3A_584] {strides = array<i32>} : memref<4x16x16xf32, #tpu.memory_space<vmem>>, vector<1x1x16xf32>,
    %swap3A_586 = vector.shape_cast %swap3A_585 : vector<1x1x16xf32> to vector<16xf32>
    %swap3A_587 = vector.shape_cast %broadcast_in_dim3A_579 : vector<16xf32> to vector<1x1x16xf32>
    tpu.vector_store %arg10[%swap3A_582, %swap3A_583, %swap3A_584], %swap3A_587 {strides = array<i32>} : memref<4x16x16xf32, #tpu.memory_space<vmem>>, vector<1x1x16xf32>,
    %broadcast_in_dim3A_588 = arith.constant 0.000000e+00 : f32
    %broadcast_in_dim3A_589 = vector.broadcast %broadcast_in_dim3A_588 : f32 to vector<16xf32>
    %swap3A_590 = arith.constant 3 : i32
    %swap3A_591 = arith.constant 6 : i32
    %swap3A_592 = arith.index_cast %swap3A_590 : i32 to index
    %swap3A_593 = arith.index_cast %swap3A_591 : i32 to index
    %swap3A_594 = arith.constant 0 : index
    %swap3A_595 = tpu.vector_load %arg10[%swap3A_592, %swap3A_593, %swap3A_594] {strides = array<i32>} : memref<4x16x16xf32, #tpu.memory_space<vmem>>, vector<1x1x16xf32>,
    %swap3A_596 = vector.shape_cast %swap3A_595 : vector<1x1x16xf32> to vector<16xf32>
    %swap3A_597 = vector.shape_cast %broadcast_in_dim3A_589 : vector<16xf32> to vector<1x1x16xf32>
    tpu.vector_store %arg10[%swap3A_592, %swap3A_593, %swap3A_594], %swap3A_597 {strides = array<i32>} : memref<4x16x16xf32, #tpu.memory_space<vmem>>, vector<1x1x16xf32>,
    %broadcast_in_dim3A_598 = arith.constant 0.000000e+00 : f32
    %broadcast_in_dim3A_599 = vector.broadcast %broadcast_in_dim3A_598 : f32 to vector<16xf32>
    %swap3A_600 = arith.constant 3 : i32
    %swap3A_601 = arith.constant 7 : i32
    %swap3A_602 = arith.index_cast %swap3A_600 : i32 to index
    %swap3A_603 = arith.index_cast %swap3A_601 : i32 to index
    %swap3A_604 = arith.constant 0 : index
    %swap3A_605 = tpu.vector_load %arg10[%swap3A_602, %swap3A_603, %swap3A_604] {strides = array<i32>} : memref<4x16x16xf32, #tpu.memory_space<vmem>>, vector<1x1x16xf32>,
    %swap3A_606 = vector.shape_cast %swap3A_605 : vector<1x1x16xf32> to vector<16xf32>
    %swap3A_607 = vector.shape_cast %broadcast_in_dim3A_599 : vector<16xf32> to vector<1x1x16xf32>
    tpu.vector_store %arg10[%swap3A_602, %swap3A_603, %swap3A_604], %swap3A_607 {strides = array<i32>} : memref<4x16x16xf32, #tpu.memory_space<vmem>>, vector<1x1x16xf32>,
    %broadcast_in_dim3A_608 = arith.constant 0.000000e+00 : f32
    %broadcast_in_dim3A_609 = vector.broadcast %broadcast_in_dim3A_608 : f32 to vector<16xf32>
    %swap3A_610 = arith.constant 3 : i32
    %swap3A_611 = arith.constant 8 : i32
    %swap3A_612 = arith.index_cast %swap3A_610 : i32 to index
    %swap3A_613 = arith.index_cast %swap3A_611 : i32 to index
    %swap3A_614 = arith.constant 0 : index
    %swap3A_615 = tpu.vector_load %arg10[%swap3A_612, %swap3A_613, %swap3A_614] {strides = array<i32>} : memref<4x16x16xf32, #tpu.memory_space<vmem>>, vector<1x1x16xf32>,
    %swap3A_616 = vector.shape_cast %swap3A_615 : vector<1x1x16xf32> to vector<16xf32>
    %swap3A_617 = vector.shape_cast %broadcast_in_dim3A_609 : vector<16xf32> to vector<1x1x16xf32>
    tpu.vector_store %arg10[%swap3A_612, %swap3A_613, %swap3A_614], %swap3A_617 {strides = array<i32>} : memref<4x16x16xf32, #tpu.memory_space<vmem>>, vector<1x1x16xf32>,
    %broadcast_in_dim3A_618 = arith.constant 0.000000e+00 : f32
    %broadcast_in_dim3A_619 = vector.broadcast %broadcast_in_dim3A_618 : f32 to vector<16xf32>
    %swap3A_620 = arith.constant 3 : i32
    %swap3A_621 = arith.constant 9 : i32
    %swap3A_622 = arith.index_cast %swap3A_620 : i32 to index
    %swap3A_623 = arith.index_cast %swap3A_621 : i32 to index
    %swap3A_624 = arith.constant 0 : index
    %swap3A_625 = tpu.vector_load %arg10[%swap3A_622, %swap3A_623, %swap3A_624] {strides = array<i32>} : memref<4x16x16xf32, #tpu.memory_space<vmem>>, vector<1x1x16xf32>,
    %swap3A_626 = vector.shape_cast %swap3A_625 : vector<1x1x16xf32> to vector<16xf32>
    %swap3A_627 = vector.shape_cast %broadcast_in_dim3A_619 : vector<16xf32> to vector<1x1x16xf32>
    tpu.vector_store %arg10[%swap3A_622, %swap3A_623, %swap3A_624], %swap3A_627 {strides = array<i32>} : memref<4x16x16xf32, #tpu.memory_space<vmem>>, vector<1x1x16xf32>,
    %broadcast_in_dim3A_628 = arith.constant 0.000000e+00 : f32
    %broadcast_in_dim3A_629 = vector.broadcast %broadcast_in_dim3A_628 : f32 to vector<16xf32>
    %swap3A_630 = arith.constant 3 : i32
    %swap3A_631 = arith.constant 10 : i32
    %swap3A_632 = arith.index_cast %swap3A_630 : i32 to index
    %swap3A_633 = arith.index_cast %swap3A_631 : i32 to index
    %swap3A_634 = arith.constant 0 : index
    %swap3A_635 = tpu.vector_load %arg10[%swap3A_632, %swap3A_633, %swap3A_634] {strides = array<i32>} : memref<4x16x16xf32, #tpu.memory_space<vmem>>, vector<1x1x16xf32>,
    %swap3A_636 = vector.shape_cast %swap3A_635 : vector<1x1x16xf32> to vector<16xf32>
    %swap3A_637 = vector.shape_cast %broadcast_in_dim3A_629 : vector<16xf32> to vector<1x1x16xf32>
    tpu.vector_store %arg10[%swap3A_632, %swap3A_633, %swap3A_634], %swap3A_637 {strides = array<i32>} : memref<4x16x16xf32, #tpu.memory_space<vmem>>, vector<1x1x16xf32>,
    %broadcast_in_dim3A_638 = arith.constant 0.000000e+00 : f32
    %broadcast_in_dim3A_639 = vector.broadcast %broadcast_in_dim3A_638 : f32 to vector<16xf32>
    %swap3A_640 = arith.constant 3 : i32
    %swap3A_641 = arith.constant 11 : i32
    %swap3A_642 = arith.index_cast %swap3A_640 : i32 to index
    %swap3A_643 = arith.index_cast %swap3A_641 : i32 to index
    %swap3A_644 = arith.constant 0 : index
    %swap3A_645 = tpu.vector_load %arg10[%swap3A_642, %swap3A_643, %swap3A_644] {strides = array<i32>} : memref<4x16x16xf32, #tpu.memory_space<vmem>>, vector<1x1x16xf32>,
    %swap3A_646 = vector.shape_cast %swap3A_645 : vector<1x1x16xf32> to vector<16xf32>
    %swap3A_647 = vector.shape_cast %broadcast_in_dim3A_639 : vector<16xf32> to vector<1x1x16xf32>
    tpu.vector_store %arg10[%swap3A_642, %swap3A_643, %swap3A_644], %swap3A_647 {strides = array<i32>} : memref<4x16x16xf32, #tpu.memory_space<vmem>>, vector<1x1x16xf32>,
    %broadcast_in_dim3A_648 = arith.constant 0.000000e+00 : f32
    %broadcast_in_dim3A_649 = vector.broadcast %broadcast_in_dim3A_648 : f32 to vector<16xf32>
    %swap3A_650 = arith.constant 3 : i32
    %swap3A_651 = arith.constant 12 : i32
    %swap3A_652 = arith.index_cast %swap3A_650 : i32 to index
    %swap3A_653 = arith.index_cast %swap3A_651 : i32 to index
    %swap3A_654 = arith.constant 0 : index
    %swap3A_655 = tpu.vector_load %arg10[%swap3A_652, %swap3A_653, %swap3A_654] {strides = array<i32>} : memref<4x16x16xf32, #tpu.memory_space<vmem>>, vector<1x1x16xf32>,
    %swap3A_656 = vector.shape_cast %swap3A_655 : vector<1x1x16xf32> to vector<16xf32>
    %swap3A_657 = vector.shape_cast %broadcast_in_dim3A_649 : vector<16xf32> to vector<1x1x16xf32>
    tpu.vector_store %arg10[%swap3A_652, %swap3A_653, %swap3A_654], %swap3A_657 {strides = array<i32>} : memref<4x16x16xf32, #tpu.memory_space<vmem>>, vector<1x1x16xf32>,
    %broadcast_in_dim3A_658 = arith.constant 0.000000e+00 : f32
    %broadcast_in_dim3A_659 = vector.broadcast %broadcast_in_dim3A_658 : f32 to vector<16xf32>
    %swap3A_660 = arith.constant 3 : i32
    %swap3A_661 = arith.constant 13 : i32
    %swap3A_662 = arith.index_cast %swap3A_660 : i32 to index
    %swap3A_663 = arith.index_cast %swap3A_661 : i32 to index
    %swap3A_664 = arith.constant 0 : index
    %swap3A_665 = tpu.vector_load %arg10[%swap3A_662, %swap3A_663, %swap3A_664] {strides = array<i32>} : memref<4x16x16xf32, #tpu.memory_space<vmem>>, vector<1x1x16xf32>,
    %swap3A_666 = vector.shape_cast %swap3A_665 : vector<1x1x16xf32> to vector<16xf32>
    %swap3A_667 = vector.shape_cast %broadcast_in_dim3A_659 : vector<16xf32> to vector<1x1x16xf32>
    tpu.vector_store %arg10[%swap3A_662, %swap3A_663, %swap3A_664], %swap3A_667 {strides = array<i32>} : memref<4x16x16xf32, #tpu.memory_space<vmem>>, vector<1x1x16xf32>,
    %broadcast_in_dim3A_668 = arith.constant 0.000000e+00 : f32
    %broadcast_in_dim3A_669 = vector.broadcast %broadcast_in_dim3A_668 : f32 to vector<16xf32>
    %swap3A_670 = arith.constant 3 : i32
    %swap3A_671 = arith.constant 14 : i32
    %swap3A_672 = arith.index_cast %swap3A_670 : i32 to index
    %swap3A_673 = arith.index_cast %swap3A_671 : i32 to index
    %swap3A_674 = arith.constant 0 : index
    %swap3A_675 = tpu.vector_load %arg10[%swap3A_672, %swap3A_673, %swap3A_674] {strides = array<i32>} : memref<4x16x16xf32, #tpu.memory_space<vmem>>, vector<1x1x16xf32>,
    %swap3A_676 = vector.shape_cast %swap3A_675 : vector<1x1x16xf32> to vector<16xf32>
    %swap3A_677 = vector.shape_cast %broadcast_in_dim3A_669 : vector<16xf32> to vector<1x1x16xf32>
    tpu.vector_store %arg10[%swap3A_672, %swap3A_673, %swap3A_674], %swap3A_677 {strides = array<i32>} : memref<4x16x16xf32, #tpu.memory_space<vmem>>, vector<1x1x16xf32>,
    %broadcast_in_dim3A_678 = arith.constant 0.000000e+00 : f32
    %broadcast_in_dim3A_679 = vector.broadcast %broadcast_in_dim3A_678 : f32 to vector<16xf32>
    %swap3A_680 = arith.constant 3 : i32
    %swap3A_681 = arith.constant 15 : i32
    %swap3A_682 = arith.index_cast %swap3A_680 : i32 to index
    %swap3A_683 = arith.index_cast %swap3A_681 : i32 to index
    %swap3A_684 = arith.constant 0 : index
    %swap3A_685 = tpu.vector_load %arg10[%swap3A_682, %swap3A_683, %swap3A_684] {strides = array<i32>} : memref<4x16x16xf32, #tpu.memory_space<vmem>>, vector<1x1x16xf32>,
    %swap3A_686 = vector.shape_cast %swap3A_685 : vector<1x1x16xf32> to vector<16xf32>
    %swap3A_687 = vector.shape_cast %broadcast_in_dim3A_679 : vector<16xf32> to vector<1x1x16xf32>
    tpu.vector_store %arg10[%swap3A_682, %swap3A_683, %swap3A_684], %swap3A_687 {strides = array<i32>} : memref<4x16x16xf32, #tpu.memory_space<vmem>>, vector<1x1x16xf32>,
    %get3A_688 = arith.constant 4 : i32
    %get3A_689 = arith.index_cast %get3A_688 : i32 to index
    %get3A_690 = arith.constant 0 : index
    %get3A_691 = tpu.vector_load %arg6[%get3A_689, %get3A_690] {strides = array<i32>} : memref<8x1024xf32, #tpu.memory_space<vmem>>, vector<1x16xf32>,
    %get3A_692 = vector.shape_cast %get3A_691 : vector<1x16xf32> to vector<16xf32>
    %slice3A = vector.extract_strided_slice %get3A_692 {offsets = [0], sizes = [1], strides = [1]} : vector<16xf32> to vector<1xf32>
    %squeeze3A = vector.extract %slice3A[0] : f32 from vector<1xf32>
    %get3A_693 = arith.constant 4 : i32
    %get3A_694 = arith.index_cast %get3A_693 : i32 to index
    %get3A_695 = arith.constant 1008 : index
    %get3A_696 = tpu.vector_load %arg6[%get3A_694, %get3A_695] {strides = array<i32>} : memref<8x1024xf32, #tpu.memory_space<vmem>>, vector<1x16xf32>,
    %get3A_697 = vector.shape_cast %get3A_696 : vector<1x16xf32> to vector<16xf32>
    %slice3A_698 = vector.extract_strided_slice %get3A_697 {offsets = [15], sizes = [1], strides = [1]} : vector<16xf32> to vector<1xf32>
    %squeeze3A_699 = vector.extract %slice3A_698[0] : f32 from vector<1xf32>
    %convert_element_type3A = arith.fptosi %squeeze3A : f32 to i32
    %convert_element_type3A_700 = arith.fptosi %squeeze3A_699 : f32 to i32
    %add3A_701 = arith.constant 1 : i32
    %add3A_702 = arith.addi %convert_element_type3A_700, %add3A_701 : i32
    %while3A = arith.constant 0 : i32
    %while3A_703 = arith.subi %add3A_702, %convert_element_type3A : i32
    %while3A_704 = arith.addi %convert_element_type3A, %while3A_703 : i32
    %while3A_705 = arith.constant 1 : i32
    %while3A_706 = arith.divsi %while3A_703, %while3A_705 : i32
    %while3A_707 = arith.muli %while3A_706, %while3A_705 : i32
    %while3A_708 = arith.addi %convert_element_type3A, %while3A_707 : i32
    %while3A_709 = arith.constant 1 : i32
    %while3A_710 = scf.for %while3A_713 = %convert_element_type3A to %while3A_708 step %while3A_709 iter_args(%while3A_714 = %while3A) -> (i32)  : i32 {
      %convert_element_type3A_715 = arith.sitofp %while3A_713 : i32 to f32
      %broadcast_in_dim3A_716 = arith.constant 0.000000e+00 : f32
      %broadcast_in_dim3A_717 = vector.broadcast %broadcast_in_dim3A_716 : f32 to vector<16xf32>
      %scan3A_718 = arith.constant 0 : i32
      %scan3A_719 = arith.constant 64 : i32
      %scan3A_720 = arith.addi %scan3A_718, %scan3A_719 : i32
      %scan3A_721 = arith.constant 1 : i32
      %scan3A_722:4 = scf.for %scan3A_753 = %scan3A_718 to %scan3A_720 step %scan3A_721 iter_args(%scan3A_754 = %broadcast_in_dim3A_717, %scan3A_755 = %broadcast_in_dim3A_717, %scan3A_756 = %broadcast_in_dim3A_717, %scan3A_757 = %broadcast_in_dim3A_717) -> (vector<16xf32>, vector<16xf32>, vector<16xf32>, vector<16xf32>)  : i32 {
        %mul3A_758 = arith.constant 16 : i32
        %mul3A_759 = arith.muli %scan3A_753, %mul3A_758 : i32
        %get3A_760 = arith.constant 4 : i32
        %get3A_761 = arith.index_cast %get3A_760 : i32 to index
        %get3A_762 = arith.index_cast %mul3A_759 : i32 to index
        %get3A_763 = tpu.vector_load %arg6[%get3A_761, %get3A_762] {strides = array<i32>} : memref<8x1024xf32, #tpu.memory_space<vmem>>, vector<1x16xf32>,
        %get3A_764 = vector.shape_cast %get3A_763 : vector<1x16xf32> to vector<16xf32>
        %eq3A = vector.broadcast %convert_element_type3A_715 : f32 to vector<16xf32>
        %eq3A_765 = arith.cmpf oeq, %get3A_764, %eq3A : vector<16xf32>
        %get3A_766 = arith.index_cast %mul3A_759 : i32 to index
        %get3A_767 = tpu.vector_load %arg8[%get3A_766] {strides = array<i32>} : memref<1024xf32, #tpu.memory_space<vmem>>, vector<16xf32>,
        %get3A_768 = vector.shape_cast %get3A_767 : vector<16xf32> to vector<16xf32>
        %jit3A = arith.constant 0.000000e+00 : f32
        %broadcast_in_dim3A_769 = vector.broadcast %jit3A : f32 to vector<16xf32>
        %select_n3A = arith.select %eq3A_765, %get3A_768, %broadcast_in_dim3A_769 : vector<16xi1>, vector<16xf32>
        %get3A_770 = arith.constant 0 : i32
        %get3A_771 = arith.index_cast %get3A_770 : i32 to index
        %get3A_772 = arith.index_cast %mul3A_759 : i32 to index
        %get3A_773 = tpu.vector_load %arg6[%get3A_771, %get3A_772] {strides = array<i32>} : memref<8x1024xf32, #tpu.memory_space<vmem>>, vector<1x16xf32>,
        %get3A_774 = vector.shape_cast %get3A_773 : vector<1x16xf32> to vector<16xf32>
        %mul3A_775 = arith.mulf %select_n3A, %get3A_774 : vector<16xf32>
        %add3A_776 = arith.addf %scan3A_754, %mul3A_775 : vector<16xf32>
        %get3A_777 = arith.constant 1 : i32
        %get3A_778 = arith.index_cast %get3A_777 : i32 to index
        %get3A_779 = arith.index_cast %mul3A_759 : i32 to index
        %get3A_780 = tpu.vector_load %arg6[%get3A_778, %get3A_779] {strides = array<i32>} : memref<8x1024xf32, #tpu.memory_space<vmem>>, vector<1x16xf32>,
        %get3A_781 = vector.shape_cast %get3A_780 : vector<1x16xf32> to vector<16xf32>
        %mul3A_782 = arith.mulf %select_n3A, %get3A_781 : vector<16xf32>
        %add3A_783 = arith.addf %scan3A_755, %mul3A_782 : vector<16xf32>
        %get3A_784 = arith.constant 2 : i32
        %get3A_785 = arith.index_cast %get3A_784 : i32 to index
        %get3A_786 = arith.index_cast %mul3A_759 : i32 to index
        %get3A_787 = tpu.vector_load %arg6[%get3A_785, %get3A_786] {strides = array<i32>} : memref<8x1024xf32, #tpu.memory_space<vmem>>, vector<1x16xf32>,
        %get3A_788 = vector.shape_cast %get3A_787 : vector<1x16xf32> to vector<16xf32>
        %mul3A_789 = arith.mulf %select_n3A, %get3A_788 : vector<16xf32>
        %add3A_790 = arith.addf %scan3A_756, %mul3A_789 : vector<16xf32>
        %add3A_791 = arith.addf %scan3A_757, %select_n3A : vector<16xf32>
        scf.yield %add3A_776, %add3A_783, %add3A_790, %add3A_791 : vector<16xf32>, vector<16xf32>, vector<16xf32>, vector<16xf32>
      }
      %scan3A_723 = arith.constant 64 : i32
      %swap3A_724 = arith.constant 0 : i32
      %swap3A_725 = arith.index_cast %swap3A_724 : i32 to index
      %swap3A_726 = arith.index_cast %while3A_713 : i32 to index
      %swap3A_727 = arith.constant 0 : index
      %swap3A_728 = tpu.vector_load %arg10[%swap3A_725, %swap3A_726, %swap3A_727] {strides = array<i32>} : memref<4x16x16xf32, #tpu.memory_space<vmem>>, vector<1x1x16xf32>,
      %swap3A_729 = vector.shape_cast %swap3A_728 : vector<1x1x16xf32> to vector<16xf32>
      %swap3A_730 = vector.shape_cast %scan3A_722#0 : vector<16xf32> to vector<1x1x16xf32>
      tpu.vector_store %arg10[%swap3A_725, %swap3A_726, %swap3A_727], %swap3A_730 {strides = array<i32>} : memref<4x16x16xf32, #tpu.memory_space<vmem>>, vector<1x1x16xf32>,
      %swap3A_731 = arith.constant 1 : i32
      %swap3A_732 = arith.index_cast %swap3A_731 : i32 to index
      %swap3A_733 = arith.index_cast %while3A_713 : i32 to index
      %swap3A_734 = arith.constant 0 : index
      %swap3A_735 = tpu.vector_load %arg10[%swap3A_732, %swap3A_733, %swap3A_734] {strides = array<i32>} : memref<4x16x16xf32, #tpu.memory_space<vmem>>, vector<1x1x16xf32>,
      %swap3A_736 = vector.shape_cast %swap3A_735 : vector<1x1x16xf32> to vector<16xf32>
      %swap3A_737 = vector.shape_cast %scan3A_722#1 : vector<16xf32> to vector<1x1x16xf32>
      tpu.vector_store %arg10[%swap3A_732, %swap3A_733, %swap3A_734], %swap3A_737 {strides = array<i32>} : memref<4x16x16xf32, #tpu.memory_space<vmem>>, vector<1x1x16xf32>,
      %swap3A_738 = arith.constant 2 : i32
      %swap3A_739 = arith.index_cast %swap3A_738 : i32 to index
      %swap3A_740 = arith.index_cast %while3A_713 : i32 to index
      %swap3A_741 = arith.constant 0 : index
      %swap3A_742 = tpu.vector_load %arg10[%swap3A_739, %swap3A_740, %swap3A_741] {strides = array<i32>} : memref<4x16x16xf32, #tpu.memory_space<vmem>>, vector<1x1x16xf32>,
      %swap3A_743 = vector.shape_cast %swap3A_742 : vector<1x1x16xf32> to vector<16xf32>
      %swap3A_744 = vector.shape_cast %scan3A_722#2 : vector<16xf32> to vector<1x1x16xf32>
      tpu.vector_store %arg10[%swap3A_739, %swap3A_740, %swap3A_741], %swap3A_744 {strides = array<i32>} : memref<4x16x16xf32, #tpu.memory_space<vmem>>, vector<1x1x16xf32>,
      %swap3A_745 = arith.constant 3 : i32
      %swap3A_746 = arith.index_cast %swap3A_745 : i32 to index
      %swap3A_747 = arith.index_cast %while3A_713 : i32 to index
      %swap3A_748 = arith.constant 0 : index
      %swap3A_749 = tpu.vector_load %arg10[%swap3A_746, %swap3A_747, %swap3A_748] {strides = array<i32>} : memref<4x16x16xf32, #tpu.memory_space<vmem>>, vector<1x1x16xf32>,
      %swap3A_750 = vector.shape_cast %swap3A_749 : vector<1x1x16xf32> to vector<16xf32>
      %swap3A_751 = vector.shape_cast %scan3A_722#3 : vector<16xf32> to vector<1x1x16xf32>
      tpu.vector_store %arg10[%swap3A_746, %swap3A_747, %swap3A_748], %swap3A_751 {strides = array<i32>} : memref<4x16x16xf32, #tpu.memory_space<vmem>>, vector<1x1x16xf32>,
      %while3A_752 = arith.constant 0 : i32
      scf.yield %while3A_752 : i32
    }
    %while3A_711 = arith.constant 1 : i32
    %while3A_712 = scf.for %while3A_713 = %while3A_708 to %while3A_704 step %while3A_711 iter_args(%while3A_714 = %while3A_710) -> (i32)  : i32 {
      %convert_element_type3A_715 = arith.sitofp %while3A_713 : i32 to f32
      %broadcast_in_dim3A_716 = arith.constant 0.000000e+00 : f32
      %broadcast_in_dim3A_717 = vector.broadcast %broadcast_in_dim3A_716 : f32 to vector<16xf32>
      %scan3A_718 = arith.constant 0 : i32
      %scan3A_719 = arith.constant 64 : i32
      %scan3A_720 = arith.addi %scan3A_718, %scan3A_719 : i32
      %scan3A_721 = arith.constant 1 : i32
      %scan3A_722:4 = scf.for %scan3A_753 = %scan3A_718 to %scan3A_720 step %scan3A_721 iter_args(%scan3A_754 = %broadcast_in_dim3A_717, %scan3A_755 = %broadcast_in_dim3A_717, %scan3A_756 = %broadcast_in_dim3A_717, %scan3A_757 = %broadcast_in_dim3A_717) -> (vector<16xf32>, vector<16xf32>, vector<16xf32>, vector<16xf32>)  : i32 {
        %mul3A_758 = arith.constant 16 : i32
        %mul3A_759 = arith.muli %scan3A_753, %mul3A_758 : i32
        %get3A_760 = arith.constant 4 : i32
        %get3A_761 = arith.index_cast %get3A_760 : i32 to index
        %get3A_762 = arith.index_cast %mul3A_759 : i32 to index
        %get3A_763 = tpu.vector_load %arg6[%get3A_761, %get3A_762] {strides = array<i32>} : memref<8x1024xf32, #tpu.memory_space<vmem>>, vector<1x16xf32>,
        %get3A_764 = vector.shape_cast %get3A_763 : vector<1x16xf32> to vector<16xf32>
        %eq3A = vector.broadcast %convert_element_type3A_715 : f32 to vector<16xf32>
        %eq3A_765 = arith.cmpf oeq, %get3A_764, %eq3A : vector<16xf32>
        %get3A_766 = arith.index_cast %mul3A_759 : i32 to index
        %get3A_767 = tpu.vector_load %arg8[%get3A_766] {strides = array<i32>} : memref<1024xf32, #tpu.memory_space<vmem>>, vector<16xf32>,
        %get3A_768 = vector.shape_cast %get3A_767 : vector<16xf32> to vector<16xf32>
        %jit3A = arith.constant 0.000000e+00 : f32
        %broadcast_in_dim3A_769 = vector.broadcast %jit3A : f32 to vector<16xf32>
        %select_n3A = arith.select %eq3A_765, %get3A_768, %broadcast_in_dim3A_769 : vector<16xi1>, vector<16xf32>
        %get3A_770 = arith.constant 0 : i32
        %get3A_771 = arith.index_cast %get3A_770 : i32 to index
        %get3A_772 = arith.index_cast %mul3A_759 : i32 to index
        %get3A_773 = tpu.vector_load %arg6[%get3A_771, %get3A_772] {strides = array<i32>} : memref<8x1024xf32, #tpu.memory_space<vmem>>, vector<1x16xf32>,
        %get3A_774 = vector.shape_cast %get3A_773 : vector<1x16xf32> to vector<16xf32>
        %mul3A_775 = arith.mulf %select_n3A, %get3A_774 : vector<16xf32>
        %add3A_776 = arith.addf %scan3A_754, %mul3A_775 : vector<16xf32>
        %get3A_777 = arith.constant 1 : i32
        %get3A_778 = arith.index_cast %get3A_777 : i32 to index
        %get3A_779 = arith.index_cast %mul3A_759 : i32 to index
        %get3A_780 = tpu.vector_load %arg6[%get3A_778, %get3A_779] {strides = array<i32>} : memref<8x1024xf32, #tpu.memory_space<vmem>>, vector<1x16xf32>,
        %get3A_781 = vector.shape_cast %get3A_780 : vector<1x16xf32> to vector<16xf32>
        %mul3A_782 = arith.mulf %select_n3A, %get3A_781 : vector<16xf32>
        %add3A_783 = arith.addf %scan3A_755, %mul3A_782 : vector<16xf32>
        %get3A_784 = arith.constant 2 : i32
        %get3A_785 = arith.index_cast %get3A_784 : i32 to index
        %get3A_786 = arith.index_cast %mul3A_759 : i32 to index
        %get3A_787 = tpu.vector_load %arg6[%get3A_785, %get3A_786] {strides = array<i32>} : memref<8x1024xf32, #tpu.memory_space<vmem>>, vector<1x16xf32>,
        %get3A_788 = vector.shape_cast %get3A_787 : vector<1x16xf32> to vector<16xf32>
        %mul3A_789 = arith.mulf %select_n3A, %get3A_788 : vector<16xf32>
        %add3A_790 = arith.addf %scan3A_756, %mul3A_789 : vector<16xf32>
        %add3A_791 = arith.addf %scan3A_757, %select_n3A : vector<16xf32>
        scf.yield %add3A_776, %add3A_783, %add3A_790, %add3A_791 : vector<16xf32>, vector<16xf32>, vector<16xf32>, vector<16xf32>
      }
      %scan3A_723 = arith.constant 64 : i32
      %swap3A_724 = arith.constant 0 : i32
      %swap3A_725 = arith.index_cast %swap3A_724 : i32 to index
      %swap3A_726 = arith.index_cast %while3A_713 : i32 to index
      %swap3A_727 = arith.constant 0 : index
      %swap3A_728 = tpu.vector_load %arg10[%swap3A_725, %swap3A_726, %swap3A_727] {strides = array<i32>} : memref<4x16x16xf32, #tpu.memory_space<vmem>>, vector<1x1x16xf32>,
      %swap3A_729 = vector.shape_cast %swap3A_728 : vector<1x1x16xf32> to vector<16xf32>
      %swap3A_730 = vector.shape_cast %scan3A_722#0 : vector<16xf32> to vector<1x1x16xf32>
      tpu.vector_store %arg10[%swap3A_725, %swap3A_726, %swap3A_727], %swap3A_730 {strides = array<i32>} : memref<4x16x16xf32, #tpu.memory_space<vmem>>, vector<1x1x16xf32>,
      %swap3A_731 = arith.constant 1 : i32
      %swap3A_732 = arith.index_cast %swap3A_731 : i32 to index
      %swap3A_733 = arith.index_cast %while3A_713 : i32 to index
      %swap3A_734 = arith.constant 0 : index
      %swap3A_735 = tpu.vector_load %arg10[%swap3A_732, %swap3A_733, %swap3A_734] {strides = array<i32>} : memref<4x16x16xf32, #tpu.memory_space<vmem>>, vector<1x1x16xf32>,
      %swap3A_736 = vector.shape_cast %swap3A_735 : vector<1x1x16xf32> to vector<16xf32>
      %swap3A_737 = vector.shape_cast %scan3A_722#1 : vector<16xf32> to vector<1x1x16xf32>
      tpu.vector_store %arg10[%swap3A_732, %swap3A_733, %swap3A_734], %swap3A_737 {strides = array<i32>} : memref<4x16x16xf32, #tpu.memory_space<vmem>>, vector<1x1x16xf32>,
      %swap3A_738 = arith.constant 2 : i32
      %swap3A_739 = arith.index_cast %swap3A_738 : i32 to index
      %swap3A_740 = arith.index_cast %while3A_713 : i32 to index
      %swap3A_741 = arith.constant 0 : index
      %swap3A_742 = tpu.vector_load %arg10[%swap3A_739, %swap3A_740, %swap3A_741] {strides = array<i32>} : memref<4x16x16xf32, #tpu.memory_space<vmem>>, vector<1x1x16xf32>,
      %swap3A_743 = vector.shape_cast %swap3A_742 : vector<1x1x16xf32> to vector<16xf32>
      %swap3A_744 = vector.shape_cast %scan3A_722#2 : vector<16xf32> to vector<1x1x16xf32>
      tpu.vector_store %arg10[%swap3A_739, %swap3A_740, %swap3A_741], %swap3A_744 {strides = array<i32>} : memref<4x16x16xf32, #tpu.memory_space<vmem>>, vector<1x1x16xf32>,
      %swap3A_745 = arith.constant 3 : i32
      %swap3A_746 = arith.index_cast %swap3A_745 : i32 to index
      %swap3A_747 = arith.index_cast %while3A_713 : i32 to index
      %swap3A_748 = arith.constant 0 : index
      %swap3A_749 = tpu.vector_load %arg10[%swap3A_746, %swap3A_747, %swap3A_748] {strides = array<i32>} : memref<4x16x16xf32, #tpu.memory_space<vmem>>, vector<1x1x16xf32>,
      %swap3A_750 = vector.shape_cast %swap3A_749 : vector<1x1x16xf32> to vector<16xf32>
      %swap3A_751 = vector.shape_cast %scan3A_722#3 : vector<16xf32> to vector<1x1x16xf32>
      tpu.vector_store %arg10[%swap3A_746, %swap3A_747, %swap3A_748], %swap3A_751 {strides = array<i32>} : memref<4x16x16xf32, #tpu.memory_space<vmem>>, vector<1x1x16xf32>,
      %while3A_752 = arith.constant 0 : i32
      scf.yield %while3A_752 : i32
    }
    "tpu.region"() ({
      %run_scoped3A = tpu.sem_alloc : memref<!tpu.dma_semaphore, #tpu.memory_space<semaphore_mem>>
      %dma_start3A_713 = arith.constant 0 : i32
      %dma_start3A_714 = arith.constant 0 : i32
      %dma_start3A_715 = arith.constant 0 : i32
      %dma_start3A_716 = tpu.memref_slice %arg5[%add3A, %dma_start3A_713, %dma_start3A_714, %dma_start3A_715] : memref<32x4x16x16xf32, #tpu.memory_space<hbm>> -> memref<1x4x16x16xf32, #tpu.memory_space<hbm>>
      %dma_start3A_717 = tpu.memref_squeeze %dma_start3A_716 : memref<1x4x16x16xf32, #tpu.memory_space<hbm>> -> memref<4x16x16xf32, #tpu.memory_space<hbm>>
      %dma_start3A_718 = arith.constant 0 : i32
      %dma_start3A_719 = arith.constant 0 : i32
      %dma_start3A_720 = arith.constant 0 : i32
      %dma_start3A_721 = tpu.memref_slice %arg5[%add3A, %dma_start3A_718, %dma_start3A_719, %dma_start3A_720] : memref<32x4x16x16xf32, #tpu.memory_space<hbm>> -> memref<1x4x16x16xf32, #tpu.memory_space<hbm>>
      %dma_start3A_722 = tpu.memref_squeeze %dma_start3A_721 : memref<1x4x16x16xf32, #tpu.memory_space<hbm>> -> memref<4x16x16xf32, #tpu.memory_space<hbm>>
      tpu.enqueue_dma source(%arg10 : memref<4x16x16xf32, #tpu.memory_space<vmem>>) target(%dma_start3A_722 : memref<4x16x16xf32, #tpu.memory_space<hbm>>) target_semaphore(%run_scoped3A : memref<!tpu.dma_semaphore, #tpu.memory_space<semaphore_mem>>)
      %dma_wait3A_723 = arith.constant 0 : i32
      %dma_wait3A_724 = arith.constant 0 : i32
      %dma_wait3A_725 = arith.constant 0 : i32
      %dma_wait3A_726 = tpu.memref_slice %arg5[%add3A, %dma_wait3A_723, %dma_wait3A_724, %dma_wait3A_725] : memref<32x4x16x16xf32, #tpu.memory_space<hbm>> -> memref<1x4x16x16xf32, #tpu.memory_space<hbm>>
      %dma_wait3A_727 = tpu.memref_squeeze %dma_wait3A_726 : memref<1x4x16x16xf32, #tpu.memory_space<hbm>> -> memref<4x16x16xf32, #tpu.memory_space<hbm>>
      %dma_wait3A_728 = arith.constant 0 : i32
      %dma_wait3A_729 = arith.constant 0 : i32
      %dma_wait3A_730 = arith.constant 0 : i32
      %dma_wait3A_731 = tpu.memref_slice %arg5[%add3A, %dma_wait3A_728, %dma_wait3A_729, %dma_wait3A_730] : memref<32x4x16x16xf32, #tpu.memory_space<hbm>> -> memref<1x4x16x16xf32, #tpu.memory_space<hbm>>
      %dma_wait3A_732 = tpu.memref_squeeze %dma_wait3A_731 : memref<1x4x16x16xf32, #tpu.memory_space<hbm>> -> memref<4x16x16xf32, #tpu.memory_space<hbm>>
      tpu.wait_dma2 semaphore(%run_scoped3A : memref<!tpu.dma_semaphore, #tpu.memory_space<semaphore_mem>>) src(%arg10 : memref<4x16x16xf32, #tpu.memory_space<vmem>>) dst(%dma_wait3A_732 : memref<4x16x16xf32, #tpu.memory_space<hbm>>)
      tpu.yield
    }) : () -> ()
    return
  }
}

module attributes {stable_mosaic.version = 14 : i64} {
  func.func @_s_side_kernel(%arg0: i32, %arg1: memref<8192x128xf32, #tpu.memory_space<vmem>>, %arg2: memref<8x8192xf32, #tpu.memory_space<vmem>>, %arg3: memref<128x64xf32, #tpu.memory_space<vmem>>, %arg4: memref<1x64xf32, #tpu.memory_space<vmem>>, %arg5: memref<64x1xf32, #tpu.memory_space<vmem>>, %arg6: memref<1x1xf32, #tpu.memory_space<vmem>>, %arg7: memref<80x1xf32, #tpu.memory_space<vmem>>) attributes {dimension_semantics = [#tpu.dimension_semantics<arbitrary>], iteration_bounds = array<i64: 4>, scalar_prefetch = 0 : i64, scratch_operands = 0 : i64, tpu.core_type = #tpu.core_type<tc>, window_params = [{transform_indices = @transform_0, window_bounds = array<i64: 8192, 128>}, {transform_indices = @transform_1, window_bounds = array<i64: 8, 8192>}, {pipeline_mode = #tpu.pipeline_mode<synchronous>, transform_indices = @transform_2, window_bounds = array<i64: 128, 64>}, {pipeline_mode = #tpu.pipeline_mode<synchronous>, transform_indices = @transform_3, window_bounds = array<i64: 1, 64>}, {pipeline_mode = #tpu.pipeline_mode<synchronous>, transform_indices = @transform_4, window_bounds = array<i64: 64, 1>}, {pipeline_mode = #tpu.pipeline_mode<synchronous>, transform_indices = @transform_5, window_bounds = array<i64: 1, 1>}, {pipeline_mode = #tpu.pipeline_mode<synchronous>, transform_indices = @transform_6, window_bounds = array<i64: 80, 1>}]} {
    %eq3A = arith.constant 0 : i32
    %eq3A_0 = arith.cmpi eq, %arg0, %eq3A : i32
    %convert_element_type3A = arith.extui %eq3A_0 : i1 to i32
    %cond3A = arith.constant 0 : i32
    %cond3A_1 = arith.cmpi ne, %convert_element_type3A, %cond3A : i32
    scf.if %cond3A_1 {
      %broadcast_in_dim3A_55 = arith.constant 0.000000e+00 : f32
      %broadcast_in_dim3A_56 = vector.broadcast %broadcast_in_dim3A_55 : f32 to vector<80x1xf32>
      %swap3A_57 = arith.constant 0 : index
      %swap3A_58 = arith.constant 0 : index
      %swap3A_59 = vector.load %arg7[%swap3A_57, %swap3A_58] : memref<80x1xf32, #tpu.memory_space<vmem>>, vector<80x1xf32>
      tpu.vector_store %arg7[%swap3A_57, %swap3A_58], %broadcast_in_dim3A_56 {strides = array<i32>} : memref<80x1xf32, #tpu.memory_space<vmem>>, vector<80x1xf32>,
    } else {
    }
    %get3A = arith.constant 0 : index
    %get3A_2 = arith.constant 0 : index
    %get3A_3 = vector.load %arg1[%get3A, %get3A_2] : memref<8192x128xf32, #tpu.memory_space<vmem>>, vector<8192x128xf32>
    %get3A_4 = arith.constant 0 : index
    %get3A_5 = arith.constant 0 : index
    %get3A_6 = vector.load %arg2[%get3A_4, %get3A_5] : memref<8x8192xf32, #tpu.memory_space<vmem>>, vector<8x8192xf32>
    %slice3A = vector.extract_strided_slice %get3A_6 {offsets = [0, 0], sizes = [1, 8192], strides = [1, 1]} : vector<8x8192xf32> to vector<1x8192xf32>
    %slice3A_7 = vector.extract_strided_slice %get3A_6 {offsets = [1, 0], sizes = [1, 8192], strides = [1, 1]} : vector<8x8192xf32> to vector<1x8192xf32>
    %slice3A_8 = vector.extract_strided_slice %get3A_6 {offsets = [2, 0], sizes = [1, 8192], strides = [1, 1]} : vector<8x8192xf32> to vector<1x8192xf32>
    %slice3A_9 = vector.extract_strided_slice %get3A_6 {offsets = [3, 0], sizes = [1, 8192], strides = [1, 1]} : vector<8x8192xf32> to vector<1x8192xf32>
    %slice3A_10 = vector.extract_strided_slice %get3A_6 {offsets = [4, 0], sizes = [1, 8192], strides = [1, 1]} : vector<8x8192xf32> to vector<1x8192xf32>
    %convert_element_type3A_11 = arith.fptosi %slice3A_10 : vector<1x8192xf32> to vector<1x8192xi32>
    %iota3A = tpu.iota {dimensions = array<i32: 0>} : vector<16x8192xi32>
    %eq3A_12 = vector.broadcast %convert_element_type3A_11 : vector<1x8192xi32> to vector<16x8192xi32>
    %eq3A_13 = arith.cmpi eq, %iota3A, %eq3A_12 : vector<16x8192xi32>
    %jit3A = arith.constant 1.000000e+00 : f32
    %jit3A_14 = arith.constant 0.000000e+00 : f32
    %broadcast_in_dim3A = vector.broadcast %jit3A : f32 to vector<16x8192xf32>
    %broadcast_in_dim3A_15 = vector.broadcast %jit3A_14 : f32 to vector<16x8192xf32>
    %select_n3A = arith.select %eq3A_13, %broadcast_in_dim3A, %broadcast_in_dim3A_15 : vector<16x8192xi1>, vector<16x8192xf32>
    %get3A_16 = arith.constant 0 : index
    %get3A_17 = arith.constant 0 : index
    %get3A_18 = vector.load %arg3[%get3A_16, %get3A_17] : memref<128x64xf32, #tpu.memory_space<vmem>>, vector<128x64xf32>
    %dot_general3A = arith.constant dense<0.000000e+00> : vector<8192x64xf32>
    %dot_general3A_19 = tpu.matmul %get3A_3, %get3A_18, %dot_general3A {dimension_numbers = #tpu.dot_dimension_numbers<[1], [0], [0], [1], [0, 0, 1, 1], [], []>, transpose_lhs_hint = false} : vector<8192x128xf32>, vector<128x64xf32>, vector<8192x64xf32> -> vector<8192x64xf32>
    %get3A_20 = arith.constant 0 : index
    %get3A_21 = arith.constant 0 : index
    %get3A_22 = vector.load %arg4[%get3A_20, %get3A_21] : memref<1x64xf32, #tpu.memory_space<vmem>>, vector<1x64xf32>
    %add3A = vector.broadcast %get3A_22 : vector<1x64xf32> to vector<8192x64xf32>
    %add3A_23 = arith.addf %dot_general3A_19, %add3A : vector<8192x64xf32>
    %logistic3A = arith.negf %add3A_23 : vector<8192x64xf32>
    %logistic3A_24 = math.exp %logistic3A : vector<8192x64xf32>
    %logistic3A_25 = arith.constant 1.000000e+00 : f32
    %logistic3A_26 = vector.broadcast %logistic3A_25 : f32 to vector<8192x64xf32>
    %logistic3A_27 = arith.addf %logistic3A_26, %logistic3A_24 : vector<8192x64xf32>
    %logistic3A_28 = arith.divf %logistic3A_26, %logistic3A_27 : vector<8192x64xf32>
    %mul3A = arith.mulf %add3A_23, %logistic3A_28 : vector<8192x64xf32>
    %get3A_29 = arith.constant 0 : index
    %get3A_30 = arith.constant 0 : index
    %get3A_31 = vector.load %arg5[%get3A_29, %get3A_30] : memref<64x1xf32, #tpu.memory_space<vmem>>, vector<64x1xf32>
    %dot_general3A_32 = arith.constant dense<0.000000e+00> : vector<8192x1xf32>
    %dot_general3A_33 = tpu.matmul %mul3A, %get3A_31, %dot_general3A_32 {dimension_numbers = #tpu.dot_dimension_numbers<[1], [0], [0], [1], [0, 0, 1, 1], [], []>, transpose_lhs_hint = false} : vector<8192x64xf32>, vector<64x1xf32>, vector<8192x1xf32> -> vector<8192x1xf32>
    %get3A_34 = arith.constant 0 : index
    %get3A_35 = arith.constant 0 : index
    %get3A_36 = vector.load %arg6[%get3A_34, %get3A_35] : memref<1x1xf32, #tpu.memory_space<vmem>>, vector<1x1xf32>
    %add3A_37 = vector.broadcast %get3A_36 : vector<1x1xf32> to vector<8192x1xf32>
    %add3A_38 = arith.addf %dot_general3A_33, %add3A_37 : vector<8192x1xf32>
    %mul3A_39 = vector.broadcast %slice3A_9 : vector<1x8192xf32> to vector<16x8192xf32>
    %mul3A_40 = arith.mulf %select_n3A, %mul3A_39 : vector<16x8192xf32>
    %mul3A_41 = vector.broadcast %slice3A : vector<1x8192xf32> to vector<16x8192xf32>
    %mul3A_42 = arith.mulf %select_n3A, %mul3A_41 : vector<16x8192xf32>
    %mul3A_43 = vector.broadcast %slice3A_7 : vector<1x8192xf32> to vector<16x8192xf32>
    %mul3A_44 = arith.mulf %select_n3A, %mul3A_43 : vector<16x8192xf32>
    %mul3A_45 = vector.broadcast %slice3A_8 : vector<1x8192xf32> to vector<16x8192xf32>
    %mul3A_46 = arith.mulf %select_n3A, %mul3A_45 : vector<16x8192xf32>
    %concatenate3A = tpu.concatenate %mul3A_40, %mul3A_42, %mul3A_44, %mul3A_46, %select_n3A in 0 : vector<16x8192xf32>, vector<16x8192xf32>, vector<16x8192xf32>, vector<16x8192xf32>, vector<16x8192xf32> -> vector<80x8192xf32>
    %get3A_47 = arith.constant 0 : index
    %get3A_48 = arith.constant 0 : index
    %get3A_49 = vector.load %arg7[%get3A_47, %get3A_48] : memref<80x1xf32, #tpu.memory_space<vmem>>, vector<80x1xf32>
    %dot_general3A_50 = arith.constant dense<0.000000e+00> : vector<80x1xf32>
    %dot_general3A_51 = tpu.matmul %concatenate3A, %add3A_38, %dot_general3A_50 {dimension_numbers = #tpu.dot_dimension_numbers<[1], [0], [0], [1], [0, 0, 1, 1], [], []>, transpose_lhs_hint = false} : vector<80x8192xf32>, vector<8192x1xf32>, vector<80x1xf32> -> vector<80x1xf32>
    %add3A_52 = arith.addf %get3A_49, %dot_general3A_51 : vector<80x1xf32>
    %swap3A = arith.constant 0 : index
    %swap3A_53 = arith.constant 0 : index
    %swap3A_54 = vector.load %arg7[%swap3A, %swap3A_53] : memref<80x1xf32, #tpu.memory_space<vmem>>, vector<80x1xf32>
    tpu.vector_store %arg7[%swap3A, %swap3A_53], %add3A_52 {strides = array<i32>} : memref<80x1xf32, #tpu.memory_space<vmem>>, vector<80x1xf32>,
    return
  }
  func.func @transform_0(%arg0: i32) -> (i32, i32) {
    %c0_i32 = arith.constant 0 : i32
    %c0_i32_0 = arith.constant 0 : i32
    return %arg0, %c0_i32 : i32, i32
  }
  func.func @transform_1(%arg0: i32) -> (i32, i32) {
    %c0_i32 = arith.constant 0 : i32
    %c0_i32_0 = arith.constant 0 : i32
    return %c0_i32, %arg0 : i32, i32
  }
  func.func @transform_2(%arg0: i32) -> (i32, i32) {
    %c0_i32 = arith.constant 0 : i32
    %c0_i32_0 = arith.constant 0 : i32
    %c0_i32_1 = arith.constant 0 : i32
    return %c0_i32, %c0_i32_0 : i32, i32
  }
  func.func @transform_3(%arg0: i32) -> (i32, i32) {
    %c0_i32 = arith.constant 0 : i32
    %c0_i32_0 = arith.constant 0 : i32
    %c0_i32_1 = arith.constant 0 : i32
    return %c0_i32, %c0_i32_0 : i32, i32
  }
  func.func @transform_4(%arg0: i32) -> (i32, i32) {
    %c0_i32 = arith.constant 0 : i32
    %c0_i32_0 = arith.constant 0 : i32
    %c0_i32_1 = arith.constant 0 : i32
    return %c0_i32, %c0_i32_0 : i32, i32
  }
  func.func @transform_5(%arg0: i32) -> (i32, i32) {
    %c0_i32 = arith.constant 0 : i32
    %c0_i32_0 = arith.constant 0 : i32
    %c0_i32_1 = arith.constant 0 : i32
    return %c0_i32, %c0_i32_0 : i32, i32
  }
  func.func @transform_6(%arg0: i32) -> (i32, i32) {
    %c0_i32 = arith.constant 0 : i32
    %c0_i32_0 = arith.constant 0 : i32
    %c0_i32_1 = arith.constant 0 : i32
    return %c0_i32, %c0_i32_0 : i32, i32
  }
}

</mosaic_0001>

<sc_bundles>
// kernel: kernel.4.cloned.1.call-start
scs
__scs_entry_jumppad:
0x0: {  	(pc) =	sbr.rel $0x88, $3  }
0x1: {  	(tag) =	ssettag $0x0;
	lr =	simm.s32 $0x1  }
0x2: {  	[smem:$0x3F98] =	sst lr;
	_ =	strace $0xD0000000  }
0x3: {  	_ = 	snop  }
0x4: {  	_ = 	snop  }
0x5: {  	_ = 	snop  }
0x6: {  	_ = 	snop  }
0x7: {  	_ = 	snop  }
__scs_overlays_trampoline_lowered:
0x8: {  	[smem:$0x3FA7] =	sst s0  }
0x9: {  	[smem:$0x3FA8] =	sst s1  }
0xa: {  	[smem:$0x3FA9] =	sst s2  }
0xb: {  	[smem:$0x3FAA] =	sst s3  }
0xc: {  	[smem:$0x3FAB] =	sst s4  }
0xd: {  	[smem:$0x3FAC] =	sst s5  }
0xe: {  	[smem:$0x3FAD] =	sst s6  }
0xf: {  	[smem:$0x3FAE] =	sst s7  }
0x10: {  	[smem:$0x3FAF] =	sst s8  }
0x11: {  	[smem:$0x3FB0] =	sst s9;
	s0 =	simm.s32 @!p0 $0x0  }
0x12: {  	s1 =	sld [smem:$0x3F96];
	s0 =	simm.s32 @p0 $0x1  }
0x13: {  	[smem:$0x3FB1] =	sst s0;
	s0 =	simm.s32 @!p1 $0x0  }
0x14: {  	s2 =	sld [smem:$0x3F95];
	s0 =	simm.s32 @p1 $0x1  }
0x15: {  	[smem:$0x3FB2] =	sst s0;
	s0 =	simm.s32 @!p2 $0x0  }
0x16: {  	s3 =	sld [smem:$0x3FDB];
	s0 =	simm.s32 @p2 $0x1  }
0x17: {  	s4 =	simm.s32 $0x1BF5;
	[smem:$0x3FB4] =	sst s0  }
0x18: {  	s0 =	sld [smem:$0x3F97];
	_ =	swait.ge [sflag:s4], $0x0  }
0x19: {  	s7 =	sld [smem:$0x3F98]  }
0x1a: {  	s8 =	sadd.s32 $0xFFFFE003, lr  }
0x1b: {  	s9 =	sadd.s32 $0xFFFFFEF7, lr;
	s5 =	simm.s32 $0xFFFFFFFF;
	p2 =	slt.u32 s8, $0xFFFFF086  }
0x1c: {  	p1 =	slt.u32 s9, $0xF7A;
	s5 =	simm.s32 @!p2 $0x0  }
0x1d: {  	s5 =	simm.s32 @p1 $0x1;
	p0 =	seq.s32 s7, s2  }
0x1e: {  	s7 =	smul.u32 @!p0 $0xF7A, s2;
	p2 =	seq.s32 @!p0 s5, $0x0  }
0x1f: {  	s9 =	smul.u32 $0xF7A, s1;
	s8 =	simm.s32 @!p0 $0x1BF5;
	p2 =	por !p2, p0  }
0x20: {  	[sflag:s8] =	ssyncset.s32 @!p0 $0xFFFFF086;
	s6 =	sadd.s32 @!p0 s3, s7;
	s7 =	simm.s32 @!p0 $0x108  }
0x21: {  	s3 =	sadd.s32 s3, s9;
	s6 =	sadd.s32 @!p0 $0x88, s6;
	s7 =	simm.s32 @p2 $0x1082  }
0x22: {  	[simem:s7], [sflag:s8] =	dma.local @!p0 [hbm:s6], $0xF7A  }
0x23: {  	s9 =	sor.u32 $0xD0000000, s2;
	s6 =	simm.s32 $0x108;
	_ =	swait.ge @!p0 [sflag:s8], $0x0  }
0x24: {  	s3 =	sadd.s32 $0x88, s3;
	s6 =	simm.s32 @!p1 $0x1082;
	[sflag:s4] =	ssyncset.s32 $0xFFFFF086  }
0x25: {  	[simem:s6], [sflag:s4] =	dma.local [hbm:s3], $0xF7A  }
0x26: {  	[smem:$0x3F98] =	sst s1;
	(tag) =	ssettag s2;
	_ =	strace s9  }
0x27: {  	s1 =	sld [smem:$0x3FA8]  }
0x28: {  	s2 =	sld [smem:$0x3FA9]  }
0x29: {  	s4 =	sld [smem:$0x3FAB]  }
0x2a: {  	p0 =	seq.s32 s5, $0x0;
	s5 =	sld [smem:$0x3FAC]  }
0x2b: {  	s6 =	sld [smem:$0x3FAD]  }
0x2c: {  	s7 =	sld [smem:$0x3FAE]  }
0x2d: {  	s3 =	simm.s32 $0x108;
	s8 =	sld [smem:$0x3FAF]  }
0x2e: {  	s3 =	simm.s32 @!p0 $0x1082;
	s9 =	sld [smem:$0x3FB0]  }
0x2f: {  	lr =	sadd.s32 s0, s3;
	s0 =	sld [smem:$0x3FA7]  }
0x30: {  	s3 =	sld [smem:$0x3FAA]  }
0x31: {  	[smem:$0x3FB3] =	sst s10  }
0x32: {  	s10 =	sld [smem:$0x3FB1];
	_ =	sdelay $0x3  }
0x33: {  	p0 =	seq.s32 s10, $0x1;
	s10 =	sld [smem:$0x3FB3];
	_ =	sdelay $0x3  }
0x34: {  	[smem:$0x3FB3] =	sst s10  }
0x35: {  	s10 =	sld [smem:$0x3FB2];
	_ =	sdelay $0x3  }
0x36: {  	p1 =	seq.s32 s10, $0x1;
	s10 =	sld [smem:$0x3FB3];
	_ =	sdelay $0x3  }
0x37: {  	[smem:$0x3FB3] =	sst s10  }
0x38: {  	s10 =	sld [smem:$0x3FB4]  }
0x39: {  	_ = 	snop;
	(pc) =	sbr.ind lr, $3  }
0x3a: {  	_ = 	snop  }
0x3b: {  	_ = 	snop  }
0x3c: {  	p2 =	seq.s32 s10, $0x1;
	s10 =	sld [smem:$0x3FB3]  }
0x3d: {  	_ =	shalt  }
0x3e: {  	_ =	shalt  }
0x3f: {  	_ =	shalt  }
0x40: {  	_ =	shalt  }
0x41: {  	_ =	shalt  }
0x42: {  	_ =	shalt  }
0x43: {  	_ =	shalt  }
0x44: {  	_ =	shalt  }
0x45: {  	_ =	shalt  }
0x46: {  	_ =	shalt  }
0x47: {  	_ =	shalt  }
0x48: {  	_ =	shalt  }
0x49: {  	_ =	shalt  }
0x4a: {  	_ =	shalt  }
0x4b: {  	_ =	shalt  }
0x4c: {  	_ =	shalt  }
0x4d: {  	_ =	shalt  }
0x4e: {  	_ =	shalt  }
0x4f: {  	_ =	shalt  }
0x50: {  	_ =	shalt  }
0x51: {  	_ =	shalt  }
0x52: {  	_ =	shalt  }
0x53: {  	_ =	shalt  }
0x54: {  	_ =	shalt  }
0x55: {  	_ =	shalt  }
0x56: {  	_ =	shalt  }
0x57: {  	_ =	shalt  }
0x58: {  	_ =	shalt  }
0x59: {  	_ =	shalt  }
0x5a: {  	_ =	shalt  }
0x5b: {  	_ =	shalt  }
0x5c: {  	_ =	shalt  }
0x5d: {  	_ =	shalt  }
0x5e: {  	_ =	shalt  }
0x5f: {  	_ =	shalt  }
0x60: {  	_ =	shalt  }
0x61: {  	_ =	shalt  }
0x62: {  	_ =	shalt  }
0x63: {  	_ =	shalt  }
0x64: {  	_ =	shalt  }
0x65: {  	_ =	shalt  }
0x66: {  	_ =	shalt  }
0x67: {  	_ =	shalt  }
0x68: {  	_ =	shalt  }
0x69: {  	_ =	shalt  }
0x6a: {  	_ =	shalt  }
0x6b: {  	_ =	shalt  }
0x6c: {  	_ =	shalt  }
0x6d: {  	_ =	shalt  }
0x6e: {  	_ =	shalt  }
0x6f: {  	_ =	shalt  }
0x70: {  	_ =	shalt  }
0x71: {  	_ =	shalt  }
0x72: {  	_ =	shalt  }
0x73: {  	_ =	shalt  }
0x74: {  	_ =	shalt  }
0x75: {  	_ =	shalt  }
0x76: {  	_ =	shalt  }
0x77: {  	_ =	shalt  }
0x78: {  	_ =	shalt  }
0x79: {  	_ =	shalt  }
0x7a: {  	_ =	shalt  }
0x7b: {  	_ =	shalt  }
0x7c: {  	_ =	shalt  }
0x7d: {  	_ =	shalt  }
0x7e: {  	_ =	shalt  }
0x7f: {  	_ =	shalt  }
0x80: {  	_ =	shalt  }
0x81: {  	_ =	shalt  }
0x82: {  	_ =	shalt  }
0x83: {  	_ =	shalt  }
0x84: {  	_ =	shalt  }
0x85: {  	_ =	shalt  }
0x86: {  	_ =	shalt  }
0x87: {  	_ =	shalt  }
.Lfunc_end0:
.L_simem_size_0:
called_computation_lowered:
.L_overlay_start_0:
0x88: {  	s2 =	sld [smem:$0x3FD9]  }
0x89: {  	s3 =	sld [smem:$0x3FFE];
	_ =	sdelay $0x1  }
0x8a: {  	s1 =	srdreg.scid  }
0x8b: {  	s0 =	sand.u32 $0x1, s1  }
0x8c: {  	s17 =	sshll.u32 s0, $0xA;
	s2 =	sadd.s32 s3, s2  }
0x8d: {  	s2 =	sadd.s32 s2, s17  }
0x8e: {  	[smem:$0x3FBF] =	sst s2  }
0x8f: {  	_ = 	snop  }
0x90: {  	s2 =	sld [smem:$0x3FC6]  }
0x91: {  	s18 =	sld [smem:$0x3FC5];
	(tm) =	ssettm $0x1  }
0x92: {  	s4 =	sld [smem:$0x3FFB];
	_ =	sdelay $0x3  }
0x93: {  	_ =	strace s4  }
0x94: {  	s4 =	sld [smem:$0x3FFC];
	_ =	sdelay $0x3  }
0x95: {  	_ =	strace s4  }
0x96: {  	s4 =	sld [smem:$0x3FFD];
	_ =	sdelay $0x3  }
0x97: {  	_ =	strace s4  }
0x98: {  	_ =	strace $0x8FFFFFFF  }
0x99: {  	s19 =	sld [smem:$0x3FDB];
	_ =	sdelay $0x1  }
0x9a: {  	s5 =	simm.s32 $_scs_section_size  }
0x9b: {  	s6 =	simm.s32 $_size__tile_overlayer_lowered;
	s7 =	simm.s32 $_tile_overlayer_lowered  }
0x9c: {  	s22 =	simm.s32 $0x1BFF;
	s21 =	sshll.u32 s7, $0x1;
	s4 =	sadd.s32 s5, s19  }
0x9d: {  	s8 =	simm.s32 $0x0;
	s20 =	sshll.u32 s6, $0x1;
	s6 =	sadd.s32 s21, s4  }
0x9e: {  	[timem:s8], [sflag:s22] =	dma.local [hbm:s6], s20  }
0x9f: {  	_ =	swait.ge [sflag:s22], s20  }
0xa0: {  	s5 =	ssub.s32 $0x0, s20;
	[sflag:s22] =	ssyncset.done $0x0  }
0xa1: {  	[sflag:s22] =	ssyncadd.s32 s5;
	_ =	sdelay $0x1  }
0xa2: {  	s23 =	simm.s32 $0x1B8B  }
0xa3: {  	_ =	swait.ge [sflag:s23], $0x1  }
0xa4: {  	[sflag:s23] =	ssyncset.done $0x0  }
0xa5: {  	s25 =	simm.s32 $0x1B8E;
	s24 =	sld [smem:$0x3FFE];
	[sflag:s23] =	ssyncadd.s32 $0xFFFFFFFF  }
0xa6: {  	s26 =	simm.s32 $execute0_lowered;
	[smem:$0x3FD2] =	sst s25  }
0xa7: {  	s6 =	sshll.u32 s26, $0x1;
	_ =	strace $0x80000046;
	[dreg:$0x1] =	wrdreg $0xFFFFFFFF  }
0xa8: {  	s28 =	simm.s32 $_size_execute0_lowered;
	s4 =	sadd.s32 s4, s6;
	[dreg:$0x0] =	wrdreg $0x0  }
0xa9: {  	s6 =	sshll.u32 s28, $0x1;
	[dreg:$0x2] =	wrdreg s4  }
0xaa: {  	[dreg:$0x3] =	wrdreg s6  }
0xab: {  	[dreg:$0x4] =	wrdreg $0xC0  }
0xac: {  	_ =	task [dreg:s8], $0x5FFFF  }
0xad: {  	[dreg:$0x1] =	wrdreg $0xFFFFFFFF  }
0xae: {  	[dreg:$0x0] =	wrdreg $0x60  }
0xaf: {  	[dreg:$0x2] =	wrdreg s24  }
0xb0: {  	[dreg:$0x3] =	wrdreg s2  }
0xb1: {  	[dreg:$0x4] =	wrdreg s18  }
0xb2: {  	[dreg:$0x5] =	wrdreg $0x9  }
0xb3: {  	_ =	task.clear_ibuf [dreg:s8], $0x6FFFF;
	_ =	strace $0x90000046  }
0xb4: {  	s29 =	simm.s32 $0x9;
	_ =	strace $0x80000048  }
0xb5: {  	_ =	swait.ge [sflag:s29], $0x1  }
0xb6: {  	[sflag:s29] =	ssyncadd.s32 $0xFFFFFFFF  }
0xb7: {  	_ =	strace $0x90000048  }
0xb8: {  	_ =	sfence  }
0xb9: {  	s30 =	sld [smem:$0x0];
	_ =	sdelay $0x2  }
0xba: {  	s31 =	sshll.u32 s1, $0xD;
	s1 =	sshrl.u32 s1, $0x2  }
0xbb: {  	s3 =	sand.u32 $0x4000, s31;
	s1 =	sadd.s32 s1, s30  }
0xbc: {  	s0 =	sor.u32 s3, s0;
	s1 =	sshll.u32 s1, $0x11  }
0xbd: {  	s0 =	sor.u32 s1, s0  }
0xbe: {  	s0 =	sadd.s32 $0x8F2B, s0  }
0xbf: {  	[sflag:s0] =	ssyncadd.remote.s32 $0x1  }
0xc0: {  	_ =	sfence.sel $0xFFFF  }
0xc1: {  	[dreg:$0x0] =	wrdreg $0xFFFFFFFF;
	(pc) =	sbr.abs _section_cstart, $3  }
0xc2: {  	[dreg:$0x1] =	wrdreg $0xFFFFFFFF  }
0xc3: {  	_ =	task.clear_ibuf [dreg:s8], $0x2FFFF;
	_ =	strace $0x9FFFFFFF  }
0xc4: {  	(tm) =	ssettm $0x7FFFFFFF  }
0xc5: {  	_ =	shalt  }
tec
execute0_lowered:
.L_overlay_start_1:
0x0: {  	(tag) =	ssettag $0x1  }
0x1: {  	s4 =	rddreg [dreg:$0x0]  }
0x2: {  	s5 =	rddreg [dreg:$0x1]  }
0x3: {  	s1 =	rddreg [dreg:$0x2]  }
0x4: {  	s2 =	srdreg.scid;
	s0 =	rddreg [dreg:$0x3]  }
0x5: {  	s3 =	simm.s32 $0x0;
	s10 =	simm.s32 $0x1;
	s11 =	simm.s32 $0x2880  }
0x6: {  	s12 =	simm.s32 $0x2;
	s13 =	simm.s32 $0x0;
	s6 =	sand.u32 $0x1, s2  }
0x7: {  	[smem:$0x7FF] =	sst s3;
	s2 =	stileid.u32;
	s7 =	sshll.u32 s6, $0x4  }
.Ltmp0:
0x8: {  	s6 =	ssub.s32 $0x2, s6;
	s7 =	sor.u32 s2, s7;
	(pc) =	sbr.rel .LBB2_1-.Ltmp0, $4  }
0x9: {  	_ =	strace $0x80000047;
	s9 =	sshrl.u32 s6, $0x1;
	s8 =	sshll.u32 s7, $0xA  }
0xa: {  	s7 =	sshll.u32 s7, $0x7;
	s9 =	ssub.s32 s6, s9;
	s8 =	sadd.s32 s8, s4  }
0xb: {  	s4 =	sadd.s32 s5, s7;
	s7 =	smax.u32 s9, $0x1;
	s9 =	simm.s32 $0x2800  }
0xc: {  	v0 =	vimm.f32 $0.0e+00;
	s5 =	sadd.s32 $0x200, s8;
	s6 =	sadd.s32 $0x8200, s8;
	s8 =	simm.s32 $0x2000  }
.LBB2_7:
0xd: {  	s13 =	sadd.s32 $0x1, s13  }
0xe: {  	p0 =	sne.s32 s13, s7  }
.Ltmp1:
0xf: {  	_ = 	snop;
	(pc) =	sbr.rel @!p0 .LBB2_8-.Ltmp1, $4  }
0x10: {  	[hbm4b:s6+s3] =	stream.linear.scatter [tilespmem:s11], [sflag:$0x2], $0x2000, $0x38;
	[tilespmem:$0x4880] =	vst v63  }
0x11: {  	_ =	swait.ge [sflag:s12], $0x2000  }
0x12: {  	[sflag:s12] =	ssyncset.done $0x0  }
0x13: {  	[sflag:s12] =	ssyncadd.s32 $0xFFFFE000  }
.LBB2_1:
0x14: {  	[tilespmem:s8], [sflag:$0x1] =	stream.linear.gather [hbm4b:s4+s3], $0x400, $0x38;
	[tilespmem:$0x4880] =	vst v63  }
0x15: {  	_ = 	snop  }
0x16: {  	[tilespmem:s3], [sflag:$0x1] =	stream.linear.gather [hbm4b:s5+s3], $0x2000, $0x38;
	[tilespmem:$0x4880] =	vst v63  }
0x17: {  	_ = 	snop  }
0x18: {  	[tilespmem:s9], [sflag:$0x1] =	stream.linear.gather [hbm4b:s1+s3], $0x77, $0x38;
	[tilespmem:$0x4880] =	vst v63  }
0x19: {  	_ =	swait.ge [sflag:s10], $0x400  }
0x1a: {  	[sflag:s10] =	ssyncset.done $0x0  }
0x1b: {  	[sflag:s10] =	ssyncadd.s32 $0xFFFFFC00  }
0x1c: {  	_ =	swait.ge [sflag:s10], $0x2000  }
0x1d: {  	[sflag:s10] =	ssyncset.done $0x0  }
0x1e: {  	[sflag:s10] =	ssyncadd.s32 $0xFFFFE000  }
0x1f: {  	_ =	swait.ge [sflag:s10], $0x77  }
0x20: {  	[sflag:s10] =	ssyncset.done $0x0  }
0x21: {  	s14 =	simm.s32 $0x0;
	[sflag:s10] =	ssyncadd.s32 $0xFFFFFF89  }
0x22: {  	v2 =	vld [tilespmem:s14+$0x2000]  }
0x23: {  	v8 =	vld [tilespmem:$0x2800]  }
0x24: {  	v7 =	vld [tilespmem:$0x2810]  }
0x25: {  	v6 =	vld [tilespmem:$0x2820]  }
0x26: {  	v5 =	vld [tilespmem:$0x2830]  }
0x27: {  	v4 =	vld [tilespmem:$0x2840];
	v10 =	vand.u32 $0xF, v2  }
0x28: {  	v1 =	vld [tilespmem:$0x2850];
	v9 =	vshrl.u32 v2, $0x4;
	v12 =	vperm.xlane v8, v10  }
0x29: {  	v2 =	vld [tilespmem:$0x2860];
	vm0 =	veq.s32 v9, $0x0;
	v11 =	vperm.xlane v7, v10  }
0x2a: {  	s15 =	simm.s32 $0x10;
	s16 =	simm.s32 $0x80;
	v3 =	vld [tilespmem:$0x2870];
	v13 =	vnsel vm0, $0x0, v12;
	vm0 =	veq.s32 v9, $0x1;
	v12 =	vperm.xlane v6, v10  }
.LBB2_2:
0x2b: {  	p0 =	sne.s32 s16, $0xFC0;
	v14 =	vld [tilespmem:s15+$0x2000];
	v11 =	vsel vm0, v11, v13;
	vm0 =	veq.s32 v9, $0x2;
	v13 =	vperm.xlane v5, v10  }
0x2c: {  	v11 =	vsel vm0, v12, v11;
	vm0 =	veq.s32 v9, $0x3;
	v12 =	vperm.xlane v4, v10  }
0x2d: {  	v11 =	vsel vm0, v13, v11;
	vm0 =	veq.s32 v9, $0x4;
	v13 =	vperm.xlane v1, v10  }
0x2e: {  	v11 =	vsel vm0, v12, v11;
	vm0 =	veq.s32 v9, $0x5;
	v12 =	vperm.xlane v2, v10  }
.Ltmp2:
0x2f: {  	v11 =	vsel vm0, v13, v11;
	vm0 =	veq.s32 v9, $0x6;
	v13 =	vperm.xlane v3, v10;
	(pc) =	sbr.rel @p0 .LBB2_2-.Ltmp2, $4  }
0x30: {  	v10 =	vand.u32 $0xF, v14;
	v11 =	vsel vm0, v12, v11;
	vm0 =	veq.s32 v9, $0x7  }
0x31: {  	v9 =	vshrl.u32 v14, $0x4;
	v12 =	vperm.xlane v8, v10;
	v13 =	vsel vm0, v13, v11  }
0x32: {  	vm0 =	veq.s32 v9, $0x0;
	v11 =	vperm.xlane v7, v10;
	[tilespmem:s14+$0x2400] =	vst v13;
	s14 =	smov.u32 s15  }
0x33: {  	s15 =	sshra.s32 s16, $0x2;
	s16 =	sadd.s32 $0x40, s16;
	v13 =	vnsel vm0, $0x0, v12;
	vm0 =	veq.s32 v9, $0x1;
	v12 =	vperm.xlane v6, v10  }
0x34: {  	v14 =	vld [tilespmem:s15+$0x2000];
	v11 =	vsel vm0, v11, v13  }
0x35: {  	vm15 =	veq.s32 v9, $0x2;
	v54 =	vperm.xlane v5, v10;
	vm4 =	veq.s32 v9, $0x3  }
0x36: {  	v55 =	vperm.xlane v4, v10;
	vm5 =	veq.s32 v9, $0x4;
	v56 =	vperm.xlane v1, v10  }
0x37: {  	vm6 =	veq.s32 v9, $0x5;
	v57 =	vperm.xlane v2, v10;
	v11 =	vsel vm15, v12, v11  }
0x38: {  	vm7 =	veq.s32 v9, $0x6;
	v58 =	vperm.xlane v3, v10;
	v11 =	vsel vm4, v54, v11  }
0x39: {  	vm8 =	veq.s32 v9, $0x7;
	v11 =	vsel vm5, v55, v11;
	v59 =	vand.u32 $0xF, v14  }
0x3a: {  	v11 =	vsel vm6, v56, v11;
	v60 =	vshrl.u32 v14, $0x4;
	v8 =	vperm.xlane v8, v59  }
0x3b: {  	v11 =	vsel vm7, v57, v11;
	vm1 =	veq.s32 v60, $0x0;
	v7 =	vperm.xlane v7, v59  }
0x3c: {  	vm9 =	veq.s32 v60, $0x1;
	v6 =	vperm.xlane v6, v59;
	v8 =	vnsel vm1, $0x0, v8  }
0x3d: {  	vm10 =	veq.s32 v60, $0x2;
	v61 =	vperm.xlane v5, v59;
	v7 =	vsel vm9, v7, v8  }
0x3e: {  	vm11 =	veq.s32 v60, $0x3;
	v62 =	vperm.xlane v4, v59;
	v6 =	vsel vm10, v6, v7  }
0x3f: {  	vm12 =	veq.s32 v60, $0x4;
	v1 =	vperm.xlane v1, v59;
	v5 =	vsel vm11, v61, v6  }
0x40: {  	vm13 =	veq.s32 v60, $0x5;
	v2 =	vperm.xlane v2, v59;
	v4 =	vsel vm12, v62, v5  }
0x41: {  	vm14 =	veq.s32 v60, $0x6;
	v3 =	vperm.xlane v3, v59;
	v1 =	vsel vm13, v1, v4  }
0x42: {  	v63 =	vsel vm8, v58, v11;
	vm15 =	veq.s32 v60, $0x7;
	v1 =	vsel vm14, v2, v1  }
0x43: {  	[tilespmem:s14+$0x2400] =	vst v63;
	v1 =	vsel vm15, v3, v1  }
0x44: {  	[tilespmem:s15+$0x2400] =	vst v1  }
0x45: {  	[tilespmem:$0x2880] =	vst v0  }
0x46: {  	[tilespmem:$0x2900] =	vst v0  }
0x47: {  	[tilespmem:$0x2980] =	vst v0  }
0x48: {  	[tilespmem:$0x2A00] =	vst v0  }
0x49: {  	[tilespmem:$0x2A80] =	vst v0  }
0x4a: {  	[tilespmem:$0x2B00] =	vst v0  }
0x4b: {  	[tilespmem:$0x2B80] =	vst v0  }
0x4c: {  	[tilespmem:$0x2C00] =	vst v0  }
0x4d: {  	[tilespmem:$0x2C80] =	vst v0  }
0x4e: {  	[tilespmem:$0x2D00] =	vst v0  }
0x4f: {  	[tilespmem:$0x2D80] =	vst v0  }
0x50: {  	[tilespmem:$0x2E00] =	vst v0  }
0x51: {  	[tilespmem:$0x2E80] =	vst v0  }
0x52: {  	[tilespmem:$0x2F00] =	vst v0  }
0x53: {  	[tilespmem:$0x2F80] =	vst v0  }
0x54: {  	[tilespmem:$0x3000] =	vst v0  }
0x55: {  	[tilespmem:$0x3080] =	vst v0  }
0x56: {  	[tilespmem:$0x3100] =	vst v0  }
0x57: {  	[tilespmem:$0x3180] =	vst v0  }
0x58: {  	[tilespmem:$0x3200] =	vst v0  }
0x59: {  	[tilespmem:$0x3280] =	vst v0  }
0x5a: {  	[tilespmem:$0x3300] =	vst v0  }
0x5b: {  	[tilespmem:$0x3380] =	vst v0  }
0x5c: {  	[tilespmem:$0x3400] =	vst v0  }
0x5d: {  	[tilespmem:$0x3480] =	vst v0  }
0x5e: {  	[tilespmem:$0x3500] =	vst v0  }
0x5f: {  	[tilespmem:$0x3580] =	vst v0  }
0x60: {  	[tilespmem:$0x3600] =	vst v0  }
0x61: {  	[tilespmem:$0x3680] =	vst v0  }
0x62: {  	[tilespmem:$0x3700] =	vst v0  }
0x63: {  	[tilespmem:$0x3780] =	vst v0  }
0x64: {  	[tilespmem:$0x3800] =	vst v0  }
0x65: {  	[tilespmem:$0x3880] =	vst v0  }
0x66: {  	[tilespmem:$0x3900] =	vst v0;
	v1 =	vld [tilespmem:$0x200]  }
0x67: {  	[tilespmem:$0x3980] =	vst v0;
	v2 =	vld [tilespmem:$0x1E70]  }
0x68: {  	[tilespmem:$0x3A00] =	vst v0  }
0x69: {  	[tilespmem:$0x3A80] =	vst v0  }
0x6a: {  	[tilespmem:$0x3B00] =	vst v0  }
0x6b: {  	[tilespmem:$0x3B80] =	vst v0;
	(v2sf) =	vpush v1, $0x0  }
0x6c: {  	[tilespmem:$0x3C00] =	vst v0;
	(v2sf) =	vpush v2, $0xF  }
0x6d: {  	[tilespmem:$0x3C80] =	vst v0  }
0x6e: {  	[tilespmem:$0x3D00] =	vst v0  }
0x6f: {  	[tilespmem:$0x3D80] =	vst v0  }
0x70: {  	[tilespmem:$0x3E00] =	vst v0  }
0x71: {  	[tilespmem:$0x3E80] =	vst v0  }
0x72: {  	[tilespmem:$0x3F00] =	vst v0  }
0x73: {  	[tilespmem:$0x3F80] =	vst v0  }
0x74: {  	[tilespmem:$0x4000] =	vst v0  }
0x75: {  	[tilespmem:$0x4080] =	vst v0  }
0x76: {  	[tilespmem:$0x4100] =	vst v0  }
0x77: {  	[tilespmem:$0x4180] =	vst v0  }
0x78: {  	[tilespmem:$0x4200] =	vst v0  }
0x79: {  	[tilespmem:$0x4280] =	vst v0  }
0x7a: {  	[tilespmem:$0x4300] =	vst v0;
	s30 =	spop (v2sf)  }
0x7b: {  	[tilespmem:$0x4380] =	vst v0;
	s31 =	spop (v2sf)  }
0x7c: {  	[tilespmem:$0x4400] =	vst v0;
	s14 =	scvt.f32.s32 s31  }
0x7d: {  	[tilespmem:$0x4480] =	vst v0;
	s15 =	scvt.f32.s32 s30  }
0x7e: {  	[tilespmem:$0x4500] =	vst v0;
	s16 =	sadd.s32 $0x1, s14  }
0x7f: {  	[tilespmem:$0x4580] =	vst v0;
	p0 =	sle.s32 s16, s15  }
.Ltmp3:
0x80: {  	[tilespmem:$0x4600] =	vst v0;
	(pc) =	sbr.rel @p0 .LBB2_7-.Ltmp3, $4  }
0x81: {  	[tilespmem:$0x4680] =	vst v0  }
0x82: {  	[tilespmem:$0x4700] =	vst v0  }
0x83: {  	[tilespmem:$0x4780] =	vst v0  }
0x84: {  	[tilespmem:$0x4800] =	vst v0  }
.LBB2_4:
0x85: {  	s16 =	simm.s32 $0x0  }
0x86: {  	s17 =	sand.u32 $0x70, s16;
	s16 =	sand.u32 $0x1C00, s16  }
0x87: {  	s17 =	sor.u32 s17, s16  }
0x88: {  	s29 =	simm.s32 $0x2400;
	v1 =	vld [tilespmem:s17+$0x200]  }
0x89: {  	v5 =	vld [tilespmem:s29+$0x0]  }
0x8a: {  	s18 =	scvt.s32.f32 s15;
	v8 =	vld [tilespmem:s17+$0x100]  }
0x8b: {  	s19 =	simm.s32 $0x10;
	s16 =	simm.s32 $0x80;
	v9 =	vld [tilespmem:s17+$0x0]  }
0x8c: {  	s30 =	sand.u32 $0x70, s19;
	v3 =	vmov s18;
	s31 =	sand.u32 $0x1C00, s16;
	v4 =	vld [tilespmem:s17+$0x80]  }
0x8d: {  	s17 =	sor.u32 s30, s31;
	vm0 =	veq.f32 v1, v3  }
0x8e: {  	v2 =	vimm.f32 $0.0e+00;
	s18 =	simm.s32 $0x2410;
	v6 =	vld [tilespmem:s17+$0x200];
	v10 =	vnsel vm0, $0x0, v5  }
0x8f: {  	v7 =	vld [tilespmem:s18+$0x0];
	v11 =	vmul.f32 v8, v10;
	v1 =	vadd.f32 v10, v2  }
0x90: {  	s19 =	simm.s32 $0x20;
	v5 =	vld [tilespmem:s17+$0x100];
	v12 =	vmul.f32 v9, v10;
	v9 =	vimm.f32 $0.0e+00;
	v8 =	vimm.f32 $0.0e+00  }
.LBB2_5:
0x91: {  	s20 =	sand.u32 $0x70, s19;
	v13 =	vld [tilespmem:s17+$0x0];
	s16 =	sadd.s32 $0x80, s16;
	v10 =	vmul.f32 v4, v10;
	v2 =	vadd.f32 v11, v2;
	p0 =	sne.s32 s19, $0x3F0  }
.Ltmp4:
0x92: {  	s19 =	sadd.s32 $0x10, s19;
	s21 =	sand.u32 $0x1C00, s16;
	v4 =	vld [tilespmem:s17+$0x80];
	v9 =	vadd.f32 v12, v9;
	(pc) =	sbr.rel @p0 .LBB2_5-.Ltmp4, $4  }
0x93: {  	s17 =	sor.u32 s20, s21;
	vm0 =	veq.f32 v6, v3;
	v8 =	vadd.f32 v10, v8  }
0x94: {  	s18 =	sadd.s32 $0x10, s18;
	v6 =	vld [tilespmem:s17+$0x200];
	v10 =	vnsel vm0, $0x0, v7  }
0x95: {  	v7 =	vld [tilespmem:s18+$0x0];
	v11 =	vmul.f32 v5, v10;
	v1 =	vadd.f32 v10, v1  }
0x96: {  	v5 =	vld [tilespmem:s17+$0x100];
	v12 =	vmul.f32 v13, v10  }
0x97: {  	v13 =	vld [tilespmem:s17+$0x0]  }
0x98: {  	v14 =	vld [tilespmem:s17+$0x80]  }
0x99: {  	vm0 =	veq.f32 v6, v3  }
0x9a: {  	v61 =	vnsel vm0, $0x0, v7  }
0x9b: {  	v2 =	vadd.f32 v11, v2;
	v3 =	vmul.f32 v4, v10;
	v5 =	vmul.f32 v5, v61  }
0x9c: {  	s16 =	sshll.u32 s15, $0x9;
	p0 =	sne.s32 s15, s14;
	v62 =	vadd.f32 v12, v9;
	v1 =	vadd.f32 v61, v1;
	v7 =	vmul.f32 v13, v61  }
.Ltmp5:
0x9d: {  	s16 =	sshra.s32 s16, $0x2;
	v3 =	vadd.f32 v3, v8;
	v63 =	vmul.f32 v14, v61;
	v2 =	vadd.f32 v5, v2;
	(pc) =	sbr.rel @p0 .LBB2_4-.Ltmp5, $4  }
.Ltmp6:
0x9e: {  	[tilespmem:s16+$0x4080] =	vst v1;
	v6 =	vadd.f32 v7, v62;
	(pc) =	sbr.rel @!p0 .LBB2_7-.Ltmp6, $4  }
0x9f: {  	v3 =	vadd.f32 v63, v3;
	[tilespmem:s16+$0x3880] =	vst v2  }
0xa0: {  	[tilespmem:s16+$0x2880] =	vst v6  }
0xa1: {  	s15 =	sadd.s32 $0x1, s15;
	[tilespmem:s16+$0x3080] =	vst v3  }
0xa2: {  	_ = 	snop  }
.LBB2_8:
0xa3: {  	_ =	sfence.sel $0x180000  }
0xa4: {  	[bflag:$0x0] =	sbarrier.arrive $0xFFFF  }
0xa5: {  	p0 =	sne.s32 s2, $0x0;
	_ =	strace $0x90000047  }
0xa6: {  	s0 =	sadd.s32 @!p0 $0x100000, s0;
	[bflag:$0x2] =	sbarrier.arrive $0xFFFF  }
0xa7: {  	[sflag:s0] =	ssyncadd.tile.s32 @!p0 $0x1;
	_ =	shalt  }
.Lfunc_end2:
_tile_overlayer_lowered:
.L_overlay_start_2:
0xa8: {  	(tag) =	ssettag $0x2  }
0xa9: {  	s0 =	rddreg [dreg:$0x0];
	s2 =	stileid.u32  }
0xaa: {  	s1 =	rddreg [dreg:$0x1];
	p0 =	sne.s32 s2, $0x0  }
0xab: {  	s3 =	rddreg [dreg:$0x2];
	[bflag:$0x3] =	sbarrier.arrive $0xFFFF;
	s2 =	simm.s32 @!p0 $0x1C02  }
0xac: {  	[timem:s3], [sflag:s2] =	dma.local @!p0 [hbm:s0], s1  }
0xad: {  	s0 =	simm.s32 @!p0 $0x2  }
0xae: {  	_ =	swait.ge @!p0 [sflag:s0], s1  }
0xaf: {  	s1 =	ssub.s32 @!p0 $0x0, s1;
	[sflag:s0] =	ssyncset.done @!p0 $0x0  }
0xb0: {  	[sflag:s0] =	ssyncadd.s32 @!p0 s1  }
0xb1: {  	[bflag:$0x3] =	sbarrier.arrive $0xFFFF  }
0xb2: {  	_ =	shalt  }

</sc_bundles>
